<compile_context>
chip_gen: v7x
topology: tpu7x:2x2x1
jax: 0.10.2.dev20260603
libtpu: 0.0.44.dev20260713+nightly
codegen_flags: <defaults>
</compile_context>

<pallas_src>
import functools

import jax
import jax.numpy as jnp
from jax import lax
from jax.experimental import pallas as pl
from jax.experimental.pallas import tpu as pltpu
from jax.experimental.pallas import tpu_sc as plsc

_B, _T, _N = 16, 2048, 32
_NSEG = 64
_SEG = _T // _NSEG
_WARM = 16
_K = _SEG + _WARM
_RP = _NSEG * _B // 4

_NC, _NS = 2, 16
_NW = _NC * _NS
_PPT = _B * _T // _NW
_CH = _PPT // 16


def _logz_body(len_ref, par_ref, lpz_ref, out_ref):
    sub = lax.broadcasted_iota(jnp.int32, (_RP, 1), 0)
    base = (sub // 4) * _SEG - _WARM

    bdmask = ((lax.broadcasted_iota(jnp.int32, (128, 128), 1) // _N)
              == (lax.broadcasted_iota(jnp.int32, (128, 128), 0) // _N))
    bd_bf = jnp.where(bdmask, jnp.exp(par_ref[0:128, :]), 0.0).astype(jnp.bfloat16)
    start = par_ref[128:129, :]
    end = par_ref[129:130, :]
    lens = len_ref[...]

    cand = start + lpz_ref[_WARM]
    alpha0 = jnp.where(sub < 4, cand, jnp.zeros((_RP, 128), jnp.float32))

    def step(k, alpha):
        t = base + k
        m = jnp.max(alpha, axis=-1, keepdims=True)
        ea = jnp.exp(alpha - m).astype(jnp.bfloat16)
        s = jnp.dot(ea, bd_bf, preferred_element_type=jnp.float32)
        new = m + jnp.log(s) + lpz_ref[k]
        keep = (t >= 1) & (t < lens)
        return jnp.where(keep, new, alpha)

    alpha = lax.fori_loop(0, _WARM, step, alpha0)

    def lse4(a):
        parts = jnp.concatenate([a[:, 32 * c:32 * c + 32] for c in range(4)], axis=0)
        m = jnp.max(parts, axis=-1, keepdims=True)
        v = m + jnp.log(jnp.sum(jnp.exp(parts - m), axis=-1, keepdims=True))
        return v.reshape(4, _NSEG, 4)

    lo = lse4(alpha)
    alpha = lax.fori_loop(_WARM, _K, step, alpha)
    hi = lse4(alpha)
    fin = lse4(alpha + end)

    logz_cq = lo[:, 0, :] + jnp.sum(hi - lo, axis=1) + (fin - hi)[:, _NSEG - 1, :]
    out_ref[...] = jnp.concatenate(
        [logz_cq, jnp.zeros((4, 4), jnp.float32)], axis=0)


def _logz(lpz, lens_p, params_p):
    out = pl.pallas_call(
        _logz_body,
        in_specs=[pl.BlockSpec(memory_space=pltpu.VMEM)] * 3,
        out_specs=pl.BlockSpec(memory_space=pltpu.VMEM),
        out_shape=jax.ShapeDtypeStruct((8, 4), jnp.float32),
    )(lens_p, params_p, lpz)
    return out[0:4].T.reshape(-1)


def _score_sc(lpz_flat, tgt_pad, lengths, params1d):
    mesh = plsc.VectorSubcoreMesh(core_axis_name="c", subcore_axis_name="s")

    @functools.partial(
        pl.kernel,
        mesh=mesh,
        compiler_params=pltpu.CompilerParams(needs_layout_passes=False),
        out_type=jax.ShapeDtypeStruct((_NW * 16,), jnp.float32),
        scratch_types=[
            pltpu.VMEM((_PPT,), jnp.int32),
            pltpu.VMEM((_PPT,), jnp.float32),
            pltpu.VMEM((_PPT + 8,), jnp.int32),
            pltpu.VMEM((_N * _N + 2 * _N,), jnp.float32),
            pltpu.VMEM((_B,), jnp.int32),
            pltpu.VMEM((16,), jnp.float32),
            pltpu.SemaphoreType.DMA,
        ],
    )
    def k(lpz_hbm, tgt_hbm, len_hbm, par_hbm, out_hbm,
          idx_v, em_v, tgt_v, par_v, len_v, acc_v, sem):
        cid = lax.axis_index("c")
        sid = lax.axis_index("s")
        wid = cid * _NS + sid
        b = wid // 2
        half = wid % 2
        p0 = wid * _PPT
        bq4 = (b // 4) & 3
        bc32 = (b % 4) * 32

        pltpu.sync_copy(tgt_hbm.at[pl.ds(p0, _PPT + 8)], tgt_v)
        pltpu.sync_copy(par_hbm, par_v)
        pltpu.sync_copy(len_hbm, len_v)

        lane = lax.iota(jnp.int32, 16)
        bvec = jnp.zeros((16,), jnp.int32) + b
        lenb = plsc.load_gather(len_v, [bvec])
        zero = jnp.zeros((16,), jnp.float32)

        def emit_idx(c, carry):
            loc = c * 16 + lane
            tl = plsc.load_gather(tgt_v, [loc])
            t = half * _PPT + loc
            row = (_WARM + t % _SEG) * _RP + (t // _SEG) * 4 + bq4
            plsc.store_scatter(idx_v, [loc], row * 128 + bc32 + tl)
            return carry

        lax.fori_loop(0, _CH, emit_idx, 0)

        copies = [
            pltpu.make_async_copy(
                lpz_hbm.at[idx_v.at[pl.ds(i * 128, 128)]],
                em_v.at[pl.ds(i * 128, 128)], sem)
            for i in range(_PPT // 128)
        ]
        for cp in copies:
            cp.start()
        for cp in copies:
            cp.wait()

        def chunk(c, acc):
            loc = c * 16 + lane
            tl = plsc.load_gather(tgt_v, [loc])
            tn = plsc.load_gather(tgt_v, [loc + 1])
            t = half * _PPT + loc
            emv = plsc.load_gather(em_v, [loc])
            trv = plsc.load_gather(par_v, [tl * _N + tn])
            stv = plsc.load_gather(par_v, [tl + _N * _N])
            edv = plsc.load_gather(par_v, [tl + _N * _N + _N])
            contrib = (jnp.where(t < lenb, emv, zero)
                       + jnp.where((t + 1) < lenb, trv, zero)
                       + jnp.where(t == lenb - 1, edv, zero)
                       + jnp.where(t == 0, stv, zero))
            return acc + contrib

        acc = lax.fori_loop(0, _CH, chunk, jnp.zeros((16,), jnp.float32))
        acc_v[...] = acc
        pltpu.sync_copy(acc_v, out_hbm.at[pl.ds(wid * 16, 16)])

    return k(lpz_flat, tgt_pad, lengths, params1d)


def kernel(log_potentials, target, lengths, transition, start_transition, end_transition):
    lp_packed = jnp.swapaxes(log_potentials, 0, 1).reshape(_T, 4, 128)
    tidx = jnp.clip(jnp.arange(_NSEG)[:, None] * _SEG - _WARM
                    + jnp.arange(_K)[None, :], 0, _T - 1)
    lpz = lp_packed[tidx.T.reshape(-1)].reshape(_K, _NSEG * 4, 128)
    lens_p = jnp.broadcast_to(
        lengths.reshape(4, 4)[None, :, :, None], (_NSEG, 4, 4, _N)).reshape(_RP, 128)
    params_p = jnp.concatenate([
        jnp.tile(transition, (4, 4)),
        jnp.tile(start_transition.reshape(1, _N), (1, 4)),
        jnp.tile(end_transition.reshape(1, _N), (1, 4)),
        jnp.zeros((6, 128), jnp.float32)], axis=0)
    logz = _logz(lpz, lens_p, params_p)

    tgt_pad = jnp.concatenate([target.reshape(-1), jnp.zeros((8,), jnp.int32)])
    params1d = jnp.concatenate([transition.reshape(-1), start_transition,
                                end_transition])
    parts = _score_sc(lpz.reshape(-1), tgt_pad, lengths, params1d)
    score = parts.reshape(_B, 2 * 16).sum(axis=-1)
    return score - logz

# --- scband reference (transcript-rebuilt; emitter-appended) ---
"""Pipeline reference for scband-crf-decoder-abc-30193620091161 (READ-ONLY COPY).

The authoritative reference and input builder live on the scoring server;
editing this copy changes nothing except your own understanding.
"""

import jax, jax.numpy as jnp
import numpy as np
from jax import lax

B, T, N = 16, 2048, 32


def setup_inputs(seed: int = 0) -> dict:
    key = jax.random.key(seed)
    k1, k2, k3, k4, k5, k6 = jax.random.split(key, 6)
    log_potentials = jax.random.normal(k1, (B, T, N), dtype=jnp.float32)
    target = jax.random.randint(k2, (B, T), 0, N, dtype=jnp.int32)
    lengths = jax.random.randint(k3, (B,), T // 2, T + 1, dtype=jnp.int32)
    transition = jax.random.normal(k4, (N, N), dtype=jnp.float32) * 0.01
    start_transition = jax.random.normal(k5, (N,), dtype=jnp.float32) * 0.01
    end_transition = jax.random.normal(k6, (N,), dtype=jnp.float32) * 0.01
    return {
        "log_potentials": log_potentials,
        "target": target,
        "lengths": lengths,
        "transition": transition,
        "start_transition": start_transition,
        "end_transition": end_transition,
    }


def _log_partitions(log_potentials, lengths, transition, start, end):
    # forward algorithm in the log semiring (log.mul = +, log.sum = logsumexp)
    lp_t = jnp.swapaxes(log_potentials, 0, 1)  # [T, B, N]
    alpha0 = start[None, :] + lp_t[0]  # [B, N]
    valid = (jnp.arange(1, T)[:, None] < lengths[None, :])  # [T-1, B]

    def step(alpha, inp):
        lp, v = inp  # lp: [B, N], v: [B]
        new = jax.nn.logsumexp(alpha[:, :, None] + transition[None, :, :], axis=1) + lp
        alpha = jnp.where(v[:, None], new, alpha)
        return alpha, None

    alpha, _ = lax.scan(step, alpha0, (lp_t[1:], valid))
    return jax.nn.logsumexp(alpha + end[None, :], axis=-1)  # [B]


def _log_scores(log_potentials, target, lengths, transition, start, end):
    # emission gather along gold path
    em = jnp.take_along_axis(log_potentials, target[:, :, None], axis=-1)[..., 0]  # [B, T]
    emask = (jnp.arange(T)[None, :] < lengths[:, None]).astype(em.dtype)
    em_sum = jnp.sum(em * emask, axis=1)
    # transition gather along gold path
    tr = transition[target[:, :-1], target[:, 1:]]  # [B, T-1]
    tmask = (jnp.arange(1, T)[None, :] < lengths[:, None]).astype(tr.dtype)
    tr_sum = jnp.sum(tr * tmask, axis=1)
    first = target[:, 0]
    last = target[jnp.arange(B), lengths - 1]
    return start[first] + em_sum + tr_sum + end[last]


def reference(log_potentials, target, lengths, transition, start_transition, end_transition):
    # dist.log_prob(target) = log_scores - log_partitions  (CrfDecoderABC.fit)
    logZ = _log_partitions(log_potentials, lengths, transition, start_transition, end_transition)
    score = _log_scores(log_potentials, target, lengths, transition, start_transition, end_transition)
    return score - logZ

if __name__ == "__main__":
    import jax
    _d = setup_inputs()
    print(jax.jit(kernel)(*tuple(_d.values())))

</pallas_src>

<mosaic_0001>
#map = affine_map<(d0, d1) -> (0)>
module attributes {stable_mosaic.version = 14 : i64} {
  func.func @k(%arg0: i32, %arg1: i32, %arg2: memref<1572864xf32, #tpu.memory_space<hbm>>, %arg3: memref<32776xi32, #tpu.memory_space<hbm>>, %arg4: memref<16xi32, #tpu.memory_space<hbm>>, %arg5: memref<1088xf32, #tpu.memory_space<hbm>>, %arg6: memref<512xf32, #tpu.memory_space<hbm>>, %arg7: memref<1024xi32, #tpu.memory_space<vmem>>, %arg8: memref<1024xf32, #tpu.memory_space<vmem>>, %arg9: memref<1032xi32, #tpu.memory_space<vmem>>, %arg10: memref<1088xf32, #tpu.memory_space<vmem>>, %arg11: memref<16xi32, #tpu.memory_space<vmem>>, %arg12: memref<16xf32, #tpu.memory_space<vmem>>, %arg13: memref<!tpu.dma_semaphore, #tpu.memory_space<semaphore_mem>>) attributes {dimension_semantics = [#tpu.dimension_semantics<core_parallel>, #tpu.dimension_semantics<subcore_parallel>], iteration_bounds = array<i64: 2, 16>, scalar_prefetch = 0 : i64, scratch_operands = 7 : i64, tpu.core_type = #tpu.core_type<sc_vector_subcore>, window_params = [{transform_indices = #map}, {transform_indices = #map}, {transform_indices = #map}, {transform_indices = #map}, {transform_indices = #map}]} {
    %mul3A = arith.constant 16 : i32
    %mul3A_0 = arith.muli %arg0, %mul3A : i32
    %add3A = arith.addi %mul3A_0, %arg1 : i32
    %jit3A = arith.constant 2 : i32
    %div3A = arith.divsi %add3A, %jit3A : i32
    %sign3A = arith.constant 0 : i32
    %sign3A_1 = arith.cmpi sgt, %add3A, %sign3A : i32
    %sign3A_2 = arith.extui %sign3A_1 : i1 to i32
    %sign3A_3 = arith.constant 0 : i32
    %sign3A_4 = arith.cmpi slt, %add3A, %sign3A_3 : i32
    %sign3A_5 = arith.extui %sign3A_4 : i1 to i32
    %sign3A_6 = arith.subi %sign3A_2, %sign3A_5 : i32
    %sign3A_7 = arith.constant 0 : i32
    %sign3A_8 = arith.cmpi sgt, %jit3A, %sign3A_7 : i32
    %sign3A_9 = arith.extui %sign3A_8 : i1 to i32
    %sign3A_10 = arith.constant 0 : i32
    %sign3A_11 = arith.cmpi slt, %jit3A, %sign3A_10 : i32
    %sign3A_12 = arith.extui %sign3A_11 : i1 to i32
    %sign3A_13 = arith.subi %sign3A_9, %sign3A_12 : i32
    %ne3A = arith.cmpi ne, %sign3A_6, %sign3A_13 : i32
    %rem3A = arith.remsi %add3A, %jit3A : i32
    %ne3A_14 = arith.constant 0 : i32
    %ne3A_15 = arith.cmpi ne, %rem3A, %ne3A_14 : i32
    %and3A = arith.andi %ne3A, %ne3A_15 : i1
    %sub3A = arith.constant 1 : i32
    %sub3A_16 = arith.subi %div3A, %sub3A : i32
    %select_n3A = arith.select %and3A, %sub3A_16, %div3A : i32
    %jit3A_17 = arith.constant 2 : i32
    %eq3A = arith.constant 0 : i32
    %eq3A_18 = arith.cmpi eq, %jit3A_17, %eq3A : i32
    %jit3A_19 = arith.constant 1 : i32
    %select_n3A_20 = arith.select %eq3A_18, %jit3A_19, %jit3A_17 : i32
    %rem3A_21 = arith.remsi %add3A, %select_n3A_20 : i32
    %ne3A_22 = arith.constant 0 : i32
    %ne3A_23 = arith.cmpi ne, %rem3A_21, %ne3A_22 : i32
    %lt3A = arith.constant 0 : i32
    %lt3A_24 = arith.cmpi slt, %rem3A_21, %lt3A : i32
    %lt3A_25 = arith.constant 0 : i32
    %lt3A_26 = arith.cmpi slt, %select_n3A_20, %lt3A_25 : i32
    %ne3A_27 = arith.xori %lt3A_24, %lt3A_26 : i1
    %and3A_28 = arith.andi %ne3A_27, %ne3A_23 : i1
    %add3A_29 = arith.addi %rem3A_21, %select_n3A_20 : i32
    %select_n3A_30 = arith.select %and3A_28, %add3A_29, %rem3A_21 : i32
    %mul3A_31 = arith.constant 1024 : i32
    %mul3A_32 = arith.muli %add3A, %mul3A_31 : i32
    %jit3A_33 = arith.constant 4 : i32
    %div3A_34 = arith.divsi %select_n3A, %jit3A_33 : i32
    %sign3A_35 = arith.constant 0 : i32
    %sign3A_36 = arith.cmpi sgt, %select_n3A, %sign3A_35 : i32
    %sign3A_37 = arith.extui %sign3A_36 : i1 to i32
    %sign3A_38 = arith.constant 0 : i32
    %sign3A_39 = arith.cmpi slt, %select_n3A, %sign3A_38 : i32
    %sign3A_40 = arith.extui %sign3A_39 : i1 to i32
    %sign3A_41 = arith.subi %sign3A_37, %sign3A_40 : i32
    %sign3A_42 = arith.constant 0 : i32
    %sign3A_43 = arith.cmpi sgt, %jit3A_33, %sign3A_42 : i32
    %sign3A_44 = arith.extui %sign3A_43 : i1 to i32
    %sign3A_45 = arith.constant 0 : i32
    %sign3A_46 = arith.cmpi slt, %jit3A_33, %sign3A_45 : i32
    %sign3A_47 = arith.extui %sign3A_46 : i1 to i32
    %sign3A_48 = arith.subi %sign3A_44, %sign3A_47 : i32
    %ne3A_49 = arith.cmpi ne, %sign3A_41, %sign3A_48 : i32
    %rem3A_50 = arith.remsi %select_n3A, %jit3A_33 : i32
    %ne3A_51 = arith.constant 0 : i32
    %ne3A_52 = arith.cmpi ne, %rem3A_50, %ne3A_51 : i32
    %and3A_53 = arith.andi %ne3A_49, %ne3A_52 : i1
    %sub3A_54 = arith.constant 1 : i32
    %sub3A_55 = arith.subi %div3A_34, %sub3A_54 : i32
    %select_n3A_56 = arith.select %and3A_53, %sub3A_55, %div3A_34 : i32
    %and3A_57 = arith.constant 3 : i32
    %and3A_58 = arith.andi %select_n3A_56, %and3A_57 : i32
    %jit3A_59 = arith.constant 4 : i32
    %eq3A_60 = arith.constant 0 : i32
    %eq3A_61 = arith.cmpi eq, %jit3A_59, %eq3A_60 : i32
    %jit3A_62 = arith.constant 1 : i32
    %select_n3A_63 = arith.select %eq3A_61, %jit3A_62, %jit3A_59 : i32
    %rem3A_64 = arith.remsi %select_n3A, %select_n3A_63 : i32
    %ne3A_65 = arith.constant 0 : i32
    %ne3A_66 = arith.cmpi ne, %rem3A_64, %ne3A_65 : i32
    %lt3A_67 = arith.constant 0 : i32
    %lt3A_68 = arith.cmpi slt, %rem3A_64, %lt3A_67 : i32
    %lt3A_69 = arith.constant 0 : i32
    %lt3A_70 = arith.cmpi slt, %select_n3A_63, %lt3A_69 : i32
    %ne3A_71 = arith.xori %lt3A_68, %lt3A_70 : i1
    %and3A_72 = arith.andi %ne3A_71, %ne3A_66 : i1
    %add3A_73 = arith.addi %rem3A_64, %select_n3A_63 : i32
    %select_n3A_74 = arith.select %and3A_72, %add3A_73, %rem3A_64 : i32
    %mul3A_75 = arith.constant 32 : i32
    %mul3A_76 = arith.muli %select_n3A_74, %mul3A_75 : i32
    "tpu.region"() ({
      %run_scoped3A = tpu.sem_alloc : memref<!tpu.dma_semaphore, #tpu.memory_space<semaphore_mem>>
      %dma_start3A_192 = tpu.memref_slice %arg3[%mul3A_32] : memref<32776xi32, #tpu.memory_space<hbm>> -> memref<1032xi32, #tpu.memory_space<hbm>>
      %dma_start3A_193 = tpu.memref_slice %arg3[%mul3A_32] : memref<32776xi32, #tpu.memory_space<hbm>> -> memref<1032xi32, #tpu.memory_space<hbm>>
      tpu.enqueue_dma source(%dma_start3A_193 : memref<1032xi32, #tpu.memory_space<hbm>>) target(%arg9 : memref<1032xi32, #tpu.memory_space<vmem>>) target_semaphore(%run_scoped3A : memref<!tpu.dma_semaphore, #tpu.memory_space<semaphore_mem>>)
      %dma_wait3A_194 = tpu.memref_slice %arg3[%mul3A_32] : memref<32776xi32, #tpu.memory_space<hbm>> -> memref<1032xi32, #tpu.memory_space<hbm>>
      %dma_wait3A_195 = tpu.memref_slice %arg3[%mul3A_32] : memref<32776xi32, #tpu.memory_space<hbm>> -> memref<1032xi32, #tpu.memory_space<hbm>>
      tpu.wait_dma2 semaphore(%run_scoped3A : memref<!tpu.dma_semaphore, #tpu.memory_space<semaphore_mem>>) src(%dma_wait3A_195 : memref<1032xi32, #tpu.memory_space<hbm>>) dst(%arg9 : memref<1032xi32, #tpu.memory_space<vmem>>)
      tpu.yield
    }) : () -> ()
    "tpu.region"() ({
      %run_scoped3A = tpu.sem_alloc : memref<!tpu.dma_semaphore, #tpu.memory_space<semaphore_mem>>
      tpu.enqueue_dma source(%arg5 : memref<1088xf32, #tpu.memory_space<hbm>>) target(%arg10 : memref<1088xf32, #tpu.memory_space<vmem>>) target_semaphore(%run_scoped3A : memref<!tpu.dma_semaphore, #tpu.memory_space<semaphore_mem>>)
      tpu.wait_dma2 semaphore(%run_scoped3A : memref<!tpu.dma_semaphore, #tpu.memory_space<semaphore_mem>>) src(%arg5 : memref<1088xf32, #tpu.memory_space<hbm>>) dst(%arg10 : memref<1088xf32, #tpu.memory_space<vmem>>)
      tpu.yield
    }) : () -> ()
    "tpu.region"() ({
      %run_scoped3A = tpu.sem_alloc : memref<!tpu.dma_semaphore, #tpu.memory_space<semaphore_mem>>
      tpu.enqueue_dma source(%arg4 : memref<16xi32, #tpu.memory_space<hbm>>) target(%arg11 : memref<16xi32, #tpu.memory_space<vmem>>) target_semaphore(%run_scoped3A : memref<!tpu.dma_semaphore, #tpu.memory_space<semaphore_mem>>)
      tpu.wait_dma2 semaphore(%run_scoped3A : memref<!tpu.dma_semaphore, #tpu.memory_space<semaphore_mem>>) src(%arg4 : memref<16xi32, #tpu.memory_space<hbm>>) dst(%arg11 : memref<16xi32, #tpu.memory_space<vmem>>)
      tpu.yield
    }) : () -> ()
    %iota3A = tpu.iota {dimensions = array<i32: 0>} : vector<16xi32>
    %broadcast_in_dim3A = arith.constant 0 : i32
    %broadcast_in_dim3A_77 = vector.broadcast %broadcast_in_dim3A : i32 to vector<16xi32>
    %add3A_78 = vector.broadcast %select_n3A : i32 to vector<16xi32>
    %add3A_79 = arith.addi %broadcast_in_dim3A_77, %add3A_78 : vector<16xi32>
    %gather3A = tpu.vector_load_idx %arg11[%add3A_79] : memref<16xi32, #tpu.memory_space<vmem>>[vector<16xi32>], vector<16xi32>,
    %broadcast_in_dim3A_80 = arith.constant 0.000000e+00 : f32
    %broadcast_in_dim3A_81 = vector.broadcast %broadcast_in_dim3A_80 : f32 to vector<16xf32>
    %scan3A = arith.constant 0 : i32
    %scan3A_82 = arith.constant 0 : i32
    %scan3A_83 = arith.constant 64 : i32
    %scan3A_84 = arith.addi %scan3A_82, %scan3A_83 : i32
    %scan3A_85 = arith.constant 1 : i32
    scf.for %scan3A_192 = %scan3A_82 to %scan3A_84 step %scan3A_85  : i32 {
      %mul3A_193 = arith.constant 16 : i32
      %mul3A_194 = arith.muli %scan3A_192, %mul3A_193 : i32
      %add3A_195 = vector.broadcast %mul3A_194 : i32 to vector<16xi32>
      %add3A_196 = arith.addi %add3A_195, %iota3A : vector<16xi32>
      %gather3A_197 = tpu.vector_load_idx %arg9[%add3A_196] : memref<1032xi32, #tpu.memory_space<vmem>>[vector<16xi32>], vector<16xi32>,
      %mul3A_198 = arith.constant 1024 : i32
      %mul3A_199 = arith.muli %select_n3A_30, %mul3A_198 : i32
      %add3A_200 = vector.broadcast %mul3A_199 : i32 to vector<16xi32>
      %add3A_201 = arith.addi %add3A_200, %add3A_196 : vector<16xi32>
      %jit3A_202 = arith.constant 32 : i32
      %eq3A_203 = arith.constant 0 : i32
      %eq3A_204 = arith.cmpi eq, %jit3A_202, %eq3A_203 : i32
      %jit3A_205 = arith.constant 1 : i32
      %select_n3A_206 = arith.select %eq3A_204, %jit3A_205, %jit3A_202 : i32
      %rem3A_207 = vector.broadcast %select_n3A_206 : i32 to vector<16xi32>
      %rem3A_208 = arith.remsi %add3A_201, %rem3A_207 : vector<16xi32>
      %ne3A_209 = arith.constant 0 : i32
      %ne3A_210 = vector.broadcast %ne3A_209 : i32 to vector<16xi32>
      %ne3A_211 = arith.cmpi ne, %rem3A_208, %ne3A_210 : vector<16xi32>
      %lt3A_212 = arith.constant 0 : i32
      %lt3A_213 = vector.broadcast %lt3A_212 : i32 to vector<16xi32>
      %lt3A_214 = arith.cmpi slt, %rem3A_208, %lt3A_213 : vector<16xi32>
      %lt3A_215 = arith.constant 0 : i32
      %lt3A_216 = arith.cmpi slt, %select_n3A_206, %lt3A_215 : i32
      %ne3A_217 = vector.broadcast %lt3A_216 : i1 to vector<16xi1>
      %ne3A_218 = vector.broadcast %ne3A_217 : vector<16xi1> to vector<16xi1>
      %ne3A_219 = arith.xori %lt3A_214, %ne3A_218 : vector<16xi1>
      %and3A_220 = arith.andi %ne3A_219, %ne3A_211 : vector<16xi1>
      %add3A_221 = vector.broadcast %select_n3A_206 : i32 to vector<16xi32>
      %add3A_222 = arith.addi %rem3A_208, %add3A_221 : vector<16xi32>
      %select_n3A_223 = arith.select %and3A_220, %add3A_222, %rem3A_208 : vector<16xi1>, vector<16xi32>
      %add3A_224 = arith.constant 16 : i32
      %add3A_225 = vector.broadcast %add3A_224 : i32 to vector<16xi32>
      %add3A_226 = arith.addi %add3A_225, %select_n3A_223 : vector<16xi32>
      %mul3A_227 = arith.constant 256 : i32
      %mul3A_228 = vector.broadcast %mul3A_227 : i32 to vector<16xi32>
      %mul3A_229 = arith.muli %add3A_226, %mul3A_228 : vector<16xi32>
      %jit3A_230 = arith.constant 32 : i32
      %div3A_231 = vector.broadcast %jit3A_230 : i32 to vector<16xi32>
      %div3A_232 = arith.divsi %add3A_201, %div3A_231 : vector<16xi32>
      %sign3A_233 = arith.constant 0 : i32
      %sign3A_234 = vector.broadcast %sign3A_233 : i32 to vector<16xi32>
      %sign3A_235 = arith.cmpi sgt, %add3A_201, %sign3A_234 : vector<16xi32>
      %sign3A_236 = arith.extui %sign3A_235 : vector<16xi1> to vector<16xi32>
      %sign3A_237 = arith.constant 0 : i32
      %sign3A_238 = vector.broadcast %sign3A_237 : i32 to vector<16xi32>
      %sign3A_239 = arith.cmpi slt, %add3A_201, %sign3A_238 : vector<16xi32>
      %sign3A_240 = arith.extui %sign3A_239 : vector<16xi1> to vector<16xi32>
      %sign3A_241 = arith.subi %sign3A_236, %sign3A_240 : vector<16xi32>
      %sign3A_242 = arith.constant 0 : i32
      %sign3A_243 = arith.cmpi sgt, %jit3A_230, %sign3A_242 : i32
      %sign3A_244 = arith.extui %sign3A_243 : i1 to i32
      %sign3A_245 = arith.constant 0 : i32
      %sign3A_246 = arith.cmpi slt, %jit3A_230, %sign3A_245 : i32
      %sign3A_247 = arith.extui %sign3A_246 : i1 to i32
      %sign3A_248 = arith.subi %sign3A_244, %sign3A_247 : i32
      %ne3A_249 = vector.broadcast %sign3A_248 : i32 to vector<16xi32>
      %ne3A_250 = arith.cmpi ne, %sign3A_241, %ne3A_249 : vector<16xi32>
      %rem3A_251 = vector.broadcast %jit3A_230 : i32 to vector<16xi32>
      %rem3A_252 = arith.remsi %add3A_201, %rem3A_251 : vector<16xi32>
      %ne3A_253 = arith.constant 0 : i32
      %ne3A_254 = vector.broadcast %ne3A_253 : i32 to vector<16xi32>
      %ne3A_255 = arith.cmpi ne, %rem3A_252, %ne3A_254 : vector<16xi32>
      %and3A_256 = arith.andi %ne3A_250, %ne3A_255 : vector<16xi1>
      %sub3A_257 = arith.constant 1 : i32
      %sub3A_258 = vector.broadcast %sub3A_257 : i32 to vector<16xi32>
      %sub3A_259 = arith.subi %div3A_232, %sub3A_258 : vector<16xi32>
      %select_n3A_260 = arith.select %and3A_256, %sub3A_259, %div3A_232 : vector<16xi1>, vector<16xi32>
      %mul3A_261 = arith.constant 4 : i32
      %mul3A_262 = vector.broadcast %mul3A_261 : i32 to vector<16xi32>
      %mul3A_263 = arith.muli %select_n3A_260, %mul3A_262 : vector<16xi32>
      %add3A_264 = arith.addi %mul3A_229, %mul3A_263 : vector<16xi32>
      %add3A_265 = vector.broadcast %and3A_58 : i32 to vector<16xi32>
      %add3A_266 = arith.addi %add3A_264, %add3A_265 : vector<16xi32>
      %mul3A_267 = arith.constant 128 : i32
      %mul3A_268 = vector.broadcast %mul3A_267 : i32 to vector<16xi32>
      %mul3A_269 = arith.muli %add3A_266, %mul3A_268 : vector<16xi32>
      %add3A_270 = vector.broadcast %mul3A_76 : i32 to vector<16xi32>
      %add3A_271 = arith.addi %mul3A_269, %add3A_270 : vector<16xi32>
      %add3A_272 = arith.addi %add3A_271, %gather3A_197 : vector<16xi32>
      tpu.vector_store_idx %arg7[%add3A_196], %add3A_272 : memref<1024xi32, #tpu.memory_space<vmem>>[vector<16xi32>], vector<16xi32>,
    }
    %scan3A_86 = arith.constant 64 : i32
    %dma_start3A = arith.constant 0 : i32
    %dma_start3A_87 = tpu.memref_slice %arg8[%dma_start3A] : memref<1024xf32, #tpu.memory_space<vmem>> -> memref<128xf32, #tpu.memory_space<vmem>>
    %dma_start3A_88 = arith.constant 0 : i32
    %dma_start3A_89 = tpu.memref_slice %arg7[%dma_start3A_88] : memref<1024xi32, #tpu.memory_space<vmem>> -> memref<128xi32, #tpu.memory_space<vmem>>
    %dma_start3A_90 = arith.constant 0 : i32
    %dma_start3A_91 = tpu.memref_slice %arg2[%dma_start3A_90] : memref<1572864xf32, #tpu.memory_space<hbm>> -> memref<1572864xf32, #tpu.memory_space<hbm>>
    tpu.enqueue_indirect_dma source(%dma_start3A_91 : memref<1572864xf32, #tpu.memory_space<hbm>>) target(%dma_start3A_87 : memref<128xf32, #tpu.memory_space<vmem>>) offsets(%dma_start3A_89 : memref<128xi32, #tpu.memory_space<vmem>>) semaphore(%arg13 : memref<!tpu.dma_semaphore, #tpu.memory_space<semaphore_mem>>)
    %dma_start3A_92 = arith.constant 128 : i32
    %dma_start3A_93 = tpu.memref_slice %arg8[%dma_start3A_92] : memref<1024xf32, #tpu.memory_space<vmem>> -> memref<128xf32, #tpu.memory_space<vmem>>
    %dma_start3A_94 = arith.constant 128 : i32
    %dma_start3A_95 = tpu.memref_slice %arg7[%dma_start3A_94] : memref<1024xi32, #tpu.memory_space<vmem>> -> memref<128xi32, #tpu.memory_space<vmem>>
    %dma_start3A_96 = arith.constant 0 : i32
    %dma_start3A_97 = tpu.memref_slice %arg2[%dma_start3A_96] : memref<1572864xf32, #tpu.memory_space<hbm>> -> memref<1572864xf32, #tpu.memory_space<hbm>>
    tpu.enqueue_indirect_dma source(%dma_start3A_97 : memref<1572864xf32, #tpu.memory_space<hbm>>) target(%dma_start3A_93 : memref<128xf32, #tpu.memory_space<vmem>>) offsets(%dma_start3A_95 : memref<128xi32, #tpu.memory_space<vmem>>) semaphore(%arg13 : memref<!tpu.dma_semaphore, #tpu.memory_space<semaphore_mem>>)
    %dma_start3A_98 = arith.constant 256 : i32
    %dma_start3A_99 = tpu.memref_slice %arg8[%dma_start3A_98] : memref<1024xf32, #tpu.memory_space<vmem>> -> memref<128xf32, #tpu.memory_space<vmem>>
    %dma_start3A_100 = arith.constant 256 : i32
    %dma_start3A_101 = tpu.memref_slice %arg7[%dma_start3A_100] : memref<1024xi32, #tpu.memory_space<vmem>> -> memref<128xi32, #tpu.memory_space<vmem>>
    %dma_start3A_102 = arith.constant 0 : i32
    %dma_start3A_103 = tpu.memref_slice %arg2[%dma_start3A_102] : memref<1572864xf32, #tpu.memory_space<hbm>> -> memref<1572864xf32, #tpu.memory_space<hbm>>
    tpu.enqueue_indirect_dma source(%dma_start3A_103 : memref<1572864xf32, #tpu.memory_space<hbm>>) target(%dma_start3A_99 : memref<128xf32, #tpu.memory_space<vmem>>) offsets(%dma_start3A_101 : memref<128xi32, #tpu.memory_space<vmem>>) semaphore(%arg13 : memref<!tpu.dma_semaphore, #tpu.memory_space<semaphore_mem>>)
    %dma_start3A_104 = arith.constant 384 : i32
    %dma_start3A_105 = tpu.memref_slice %arg8[%dma_start3A_104] : memref<1024xf32, #tpu.memory_space<vmem>> -> memref<128xf32, #tpu.memory_space<vmem>>
    %dma_start3A_106 = arith.constant 384 : i32
    %dma_start3A_107 = tpu.memref_slice %arg7[%dma_start3A_106] : memref<1024xi32, #tpu.memory_space<vmem>> -> memref<128xi32, #tpu.memory_space<vmem>>
    %dma_start3A_108 = arith.constant 0 : i32
    %dma_start3A_109 = tpu.memref_slice %arg2[%dma_start3A_108] : memref<1572864xf32, #tpu.memory_space<hbm>> -> memref<1572864xf32, #tpu.memory_space<hbm>>
    tpu.enqueue_indirect_dma source(%dma_start3A_109 : memref<1572864xf32, #tpu.memory_space<hbm>>) target(%dma_start3A_105 : memref<128xf32, #tpu.memory_space<vmem>>) offsets(%dma_start3A_107 : memref<128xi32, #tpu.memory_space<vmem>>) semaphore(%arg13 : memref<!tpu.dma_semaphore, #tpu.memory_space<semaphore_mem>>)
    %dma_start3A_110 = arith.constant 512 : i32
    %dma_start3A_111 = tpu.memref_slice %arg8[%dma_start3A_110] : memref<1024xf32, #tpu.memory_space<vmem>> -> memref<128xf32, #tpu.memory_space<vmem>>
    %dma_start3A_112 = arith.constant 512 : i32
    %dma_start3A_113 = tpu.memref_slice %arg7[%dma_start3A_112] : memref<1024xi32, #tpu.memory_space<vmem>> -> memref<128xi32, #tpu.memory_space<vmem>>
    %dma_start3A_114 = arith.constant 0 : i32
    %dma_start3A_115 = tpu.memref_slice %arg2[%dma_start3A_114] : memref<1572864xf32, #tpu.memory_space<hbm>> -> memref<1572864xf32, #tpu.memory_space<hbm>>
    tpu.enqueue_indirect_dma source(%dma_start3A_115 : memref<1572864xf32, #tpu.memory_space<hbm>>) target(%dma_start3A_111 : memref<128xf32, #tpu.memory_space<vmem>>) offsets(%dma_start3A_113 : memref<128xi32, #tpu.memory_space<vmem>>) semaphore(%arg13 : memref<!tpu.dma_semaphore, #tpu.memory_space<semaphore_mem>>)
    %dma_start3A_116 = arith.constant 640 : i32
    %dma_start3A_117 = tpu.memref_slice %arg8[%dma_start3A_116] : memref<1024xf32, #tpu.memory_space<vmem>> -> memref<128xf32, #tpu.memory_space<vmem>>
    %dma_start3A_118 = arith.constant 640 : i32
    %dma_start3A_119 = tpu.memref_slice %arg7[%dma_start3A_118] : memref<1024xi32, #tpu.memory_space<vmem>> -> memref<128xi32, #tpu.memory_space<vmem>>
    %dma_start3A_120 = arith.constant 0 : i32
    %dma_start3A_121 = tpu.memref_slice %arg2[%dma_start3A_120] : memref<1572864xf32, #tpu.memory_space<hbm>> -> memref<1572864xf32, #tpu.memory_space<hbm>>
    tpu.enqueue_indirect_dma source(%dma_start3A_121 : memref<1572864xf32, #tpu.memory_space<hbm>>) target(%dma_start3A_117 : memref<128xf32, #tpu.memory_space<vmem>>) offsets(%dma_start3A_119 : memref<128xi32, #tpu.memory_space<vmem>>) semaphore(%arg13 : memref<!tpu.dma_semaphore, #tpu.memory_space<semaphore_mem>>)
    %dma_start3A_122 = arith.constant 768 : i32
    %dma_start3A_123 = tpu.memref_slice %arg8[%dma_start3A_122] : memref<1024xf32, #tpu.memory_space<vmem>> -> memref<128xf32, #tpu.memory_space<vmem>>
    %dma_start3A_124 = arith.constant 768 : i32
    %dma_start3A_125 = tpu.memref_slice %arg7[%dma_start3A_124] : memref<1024xi32, #tpu.memory_space<vmem>> -> memref<128xi32, #tpu.memory_space<vmem>>
    %dma_start3A_126 = arith.constant 0 : i32
    %dma_start3A_127 = tpu.memref_slice %arg2[%dma_start3A_126] : memref<1572864xf32, #tpu.memory_space<hbm>> -> memref<1572864xf32, #tpu.memory_space<hbm>>
    tpu.enqueue_indirect_dma source(%dma_start3A_127 : memref<1572864xf32, #tpu.memory_space<hbm>>) target(%dma_start3A_123 : memref<128xf32, #tpu.memory_space<vmem>>) offsets(%dma_start3A_125 : memref<128xi32, #tpu.memory_space<vmem>>) semaphore(%arg13 : memref<!tpu.dma_semaphore, #tpu.memory_space<semaphore_mem>>)
    %dma_start3A_128 = arith.constant 896 : i32
    %dma_start3A_129 = tpu.memref_slice %arg8[%dma_start3A_128] : memref<1024xf32, #tpu.memory_space<vmem>> -> memref<128xf32, #tpu.memory_space<vmem>>
    %dma_start3A_130 = arith.constant 896 : i32
    %dma_start3A_131 = tpu.memref_slice %arg7[%dma_start3A_130] : memref<1024xi32, #tpu.memory_space<vmem>> -> memref<128xi32, #tpu.memory_space<vmem>>
    %dma_start3A_132 = arith.constant 0 : i32
    %dma_start3A_133 = tpu.memref_slice %arg2[%dma_start3A_132] : memref<1572864xf32, #tpu.memory_space<hbm>> -> memref<1572864xf32, #tpu.memory_space<hbm>>
    tpu.enqueue_indirect_dma source(%dma_start3A_133 : memref<1572864xf32, #tpu.memory_space<hbm>>) target(%dma_start3A_129 : memref<128xf32, #tpu.memory_space<vmem>>) offsets(%dma_start3A_131 : memref<128xi32, #tpu.memory_space<vmem>>) semaphore(%arg13 : memref<!tpu.dma_semaphore, #tpu.memory_space<semaphore_mem>>)
    %dma_wait3A = arith.constant 0 : i32
    %dma_wait3A_134 = tpu.memref_slice %arg8[%dma_wait3A] : memref<1024xf32, #tpu.memory_space<vmem>> -> memref<128xf32, #tpu.memory_space<vmem>>
    %dma_wait3A_135 = arith.constant 0 : i32
    %dma_wait3A_136 = tpu.memref_slice %arg7[%dma_wait3A_135] : memref<1024xi32, #tpu.memory_space<vmem>> -> memref<128xi32, #tpu.memory_space<vmem>>
    %dma_wait3A_137 = arith.constant 0 : i32
    %dma_wait3A_138 = tpu.memref_slice %arg2[%dma_wait3A_137] : memref<1572864xf32, #tpu.memory_space<hbm>> -> memref<1572864xf32, #tpu.memory_space<hbm>>
    tpu.wait_indirect_dma semaphore(%arg13 : memref<!tpu.dma_semaphore, #tpu.memory_space<semaphore_mem>>) src(%dma_wait3A_138 : memref<1572864xf32, #tpu.memory_space<hbm>>) dst(%dma_wait3A_134 : memref<128xf32, #tpu.memory_space<vmem>>)
    %dma_wait3A_139 = arith.constant 128 : i32
    %dma_wait3A_140 = tpu.memref_slice %arg8[%dma_wait3A_139] : memref<1024xf32, #tpu.memory_space<vmem>> -> memref<128xf32, #tpu.memory_space<vmem>>
    %dma_wait3A_141 = arith.constant 128 : i32
    %dma_wait3A_142 = tpu.memref_slice %arg7[%dma_wait3A_141] : memref<1024xi32, #tpu.memory_space<vmem>> -> memref<128xi32, #tpu.memory_space<vmem>>
    %dma_wait3A_143 = arith.constant 0 : i32
    %dma_wait3A_144 = tpu.memref_slice %arg2[%dma_wait3A_143] : memref<1572864xf32, #tpu.memory_space<hbm>> -> memref<1572864xf32, #tpu.memory_space<hbm>>
    tpu.wait_indirect_dma semaphore(%arg13 : memref<!tpu.dma_semaphore, #tpu.memory_space<semaphore_mem>>) src(%dma_wait3A_144 : memref<1572864xf32, #tpu.memory_space<hbm>>) dst(%dma_wait3A_140 : memref<128xf32, #tpu.memory_space<vmem>>)
    %dma_wait3A_145 = arith.constant 256 : i32
    %dma_wait3A_146 = tpu.memref_slice %arg8[%dma_wait3A_145] : memref<1024xf32, #tpu.memory_space<vmem>> -> memref<128xf32, #tpu.memory_space<vmem>>
    %dma_wait3A_147 = arith.constant 256 : i32
    %dma_wait3A_148 = tpu.memref_slice %arg7[%dma_wait3A_147] : memref<1024xi32, #tpu.memory_space<vmem>> -> memref<128xi32, #tpu.memory_space<vmem>>
    %dma_wait3A_149 = arith.constant 0 : i32
    %dma_wait3A_150 = tpu.memref_slice %arg2[%dma_wait3A_149] : memref<1572864xf32, #tpu.memory_space<hbm>> -> memref<1572864xf32, #tpu.memory_space<hbm>>
    tpu.wait_indirect_dma semaphore(%arg13 : memref<!tpu.dma_semaphore, #tpu.memory_space<semaphore_mem>>) src(%dma_wait3A_150 : memref<1572864xf32, #tpu.memory_space<hbm>>) dst(%dma_wait3A_146 : memref<128xf32, #tpu.memory_space<vmem>>)
    %dma_wait3A_151 = arith.constant 384 : i32
    %dma_wait3A_152 = tpu.memref_slice %arg8[%dma_wait3A_151] : memref<1024xf32, #tpu.memory_space<vmem>> -> memref<128xf32, #tpu.memory_space<vmem>>
    %dma_wait3A_153 = arith.constant 384 : i32
    %dma_wait3A_154 = tpu.memref_slice %arg7[%dma_wait3A_153] : memref<1024xi32, #tpu.memory_space<vmem>> -> memref<128xi32, #tpu.memory_space<vmem>>
    %dma_wait3A_155 = arith.constant 0 : i32
    %dma_wait3A_156 = tpu.memref_slice %arg2[%dma_wait3A_155] : memref<1572864xf32, #tpu.memory_space<hbm>> -> memref<1572864xf32, #tpu.memory_space<hbm>>
    tpu.wait_indirect_dma semaphore(%arg13 : memref<!tpu.dma_semaphore, #tpu.memory_space<semaphore_mem>>) src(%dma_wait3A_156 : memref<1572864xf32, #tpu.memory_space<hbm>>) dst(%dma_wait3A_152 : memref<128xf32, #tpu.memory_space<vmem>>)
    %dma_wait3A_157 = arith.constant 512 : i32
    %dma_wait3A_158 = tpu.memref_slice %arg8[%dma_wait3A_157] : memref<1024xf32, #tpu.memory_space<vmem>> -> memref<128xf32, #tpu.memory_space<vmem>>
    %dma_wait3A_159 = arith.constant 512 : i32
    %dma_wait3A_160 = tpu.memref_slice %arg7[%dma_wait3A_159] : memref<1024xi32, #tpu.memory_space<vmem>> -> memref<128xi32, #tpu.memory_space<vmem>>
    %dma_wait3A_161 = arith.constant 0 : i32
    %dma_wait3A_162 = tpu.memref_slice %arg2[%dma_wait3A_161] : memref<1572864xf32, #tpu.memory_space<hbm>> -> memref<1572864xf32, #tpu.memory_space<hbm>>
    tpu.wait_indirect_dma semaphore(%arg13 : memref<!tpu.dma_semaphore, #tpu.memory_space<semaphore_mem>>) src(%dma_wait3A_162 : memref<1572864xf32, #tpu.memory_space<hbm>>) dst(%dma_wait3A_158 : memref<128xf32, #tpu.memory_space<vmem>>)
    %dma_wait3A_163 = arith.constant 640 : i32
    %dma_wait3A_164 = tpu.memref_slice %arg8[%dma_wait3A_163] : memref<1024xf32, #tpu.memory_space<vmem>> -> memref<128xf32, #tpu.memory_space<vmem>>
    %dma_wait3A_165 = arith.constant 640 : i32
    %dma_wait3A_166 = tpu.memref_slice %arg7[%dma_wait3A_165] : memref<1024xi32, #tpu.memory_space<vmem>> -> memref<128xi32, #tpu.memory_space<vmem>>
    %dma_wait3A_167 = arith.constant 0 : i32
    %dma_wait3A_168 = tpu.memref_slice %arg2[%dma_wait3A_167] : memref<1572864xf32, #tpu.memory_space<hbm>> -> memref<1572864xf32, #tpu.memory_space<hbm>>
    tpu.wait_indirect_dma semaphore(%arg13 : memref<!tpu.dma_semaphore, #tpu.memory_space<semaphore_mem>>) src(%dma_wait3A_168 : memref<1572864xf32, #tpu.memory_space<hbm>>) dst(%dma_wait3A_164 : memref<128xf32, #tpu.memory_space<vmem>>)
    %dma_wait3A_169 = arith.constant 768 : i32
    %dma_wait3A_170 = tpu.memref_slice %arg8[%dma_wait3A_169] : memref<1024xf32, #tpu.memory_space<vmem>> -> memref<128xf32, #tpu.memory_space<vmem>>
    %dma_wait3A_171 = arith.constant 768 : i32
    %dma_wait3A_172 = tpu.memref_slice %arg7[%dma_wait3A_171] : memref<1024xi32, #tpu.memory_space<vmem>> -> memref<128xi32, #tpu.memory_space<vmem>>
    %dma_wait3A_173 = arith.constant 0 : i32
    %dma_wait3A_174 = tpu.memref_slice %arg2[%dma_wait3A_173] : memref<1572864xf32, #tpu.memory_space<hbm>> -> memref<1572864xf32, #tpu.memory_space<hbm>>
    tpu.wait_indirect_dma semaphore(%arg13 : memref<!tpu.dma_semaphore, #tpu.memory_space<semaphore_mem>>) src(%dma_wait3A_174 : memref<1572864xf32, #tpu.memory_space<hbm>>) dst(%dma_wait3A_170 : memref<128xf32, #tpu.memory_space<vmem>>)
    %dma_wait3A_175 = arith.constant 896 : i32
    %dma_wait3A_176 = tpu.memref_slice %arg8[%dma_wait3A_175] : memref<1024xf32, #tpu.memory_space<vmem>> -> memref<128xf32, #tpu.memory_space<vmem>>
    %dma_wait3A_177 = arith.constant 896 : i32
    %dma_wait3A_178 = tpu.memref_slice %arg7[%dma_wait3A_177] : memref<1024xi32, #tpu.memory_space<vmem>> -> memref<128xi32, #tpu.memory_space<vmem>>
    %dma_wait3A_179 = arith.constant 0 : i32
    %dma_wait3A_180 = tpu.memref_slice %arg2[%dma_wait3A_179] : memref<1572864xf32, #tpu.memory_space<hbm>> -> memref<1572864xf32, #tpu.memory_space<hbm>>
    tpu.wait_indirect_dma semaphore(%arg13 : memref<!tpu.dma_semaphore, #tpu.memory_space<semaphore_mem>>) src(%dma_wait3A_180 : memref<1572864xf32, #tpu.memory_space<hbm>>) dst(%dma_wait3A_176 : memref<128xf32, #tpu.memory_space<vmem>>)
    %broadcast_in_dim3A_181 = arith.constant 0.000000e+00 : f32
    %broadcast_in_dim3A_182 = vector.broadcast %broadcast_in_dim3A_181 : f32 to vector<16xf32>
    %scan3A_183 = arith.constant 0 : i32
    %scan3A_184 = arith.constant 64 : i32
    %scan3A_185 = arith.addi %scan3A_183, %scan3A_184 : i32
    %scan3A_186 = arith.constant 1 : i32
    %scan3A_187 = scf.for %scan3A_192 = %scan3A_183 to %scan3A_185 step %scan3A_186 iter_args(%scan3A_193 = %broadcast_in_dim3A_182) -> (vector<16xf32>)  : i32 {
      %mul3A_194 = arith.constant 16 : i32
      %mul3A_195 = arith.muli %scan3A_192, %mul3A_194 : i32
      %add3A_196 = vector.broadcast %mul3A_195 : i32 to vector<16xi32>
      %add3A_197 = arith.addi %add3A_196, %iota3A : vector<16xi32>
      %gather3A_198 = tpu.vector_load_idx %arg9[%add3A_197] : memref<1032xi32, #tpu.memory_space<vmem>>[vector<16xi32>], vector<16xi32>,
      %add3A_199 = arith.constant 1 : i32
      %add3A_200 = vector.broadcast %add3A_199 : i32 to vector<16xi32>
      %add3A_201 = arith.addi %add3A_197, %add3A_200 : vector<16xi32>
      %gather3A_202 = tpu.vector_load_idx %arg9[%add3A_201] : memref<1032xi32, #tpu.memory_space<vmem>>[vector<16xi32>], vector<16xi32>,
      %mul3A_203 = arith.constant 1024 : i32
      %mul3A_204 = arith.muli %select_n3A_30, %mul3A_203 : i32
      %add3A_205 = vector.broadcast %mul3A_204 : i32 to vector<16xi32>
      %add3A_206 = arith.addi %add3A_205, %add3A_197 : vector<16xi32>
      %gather3A_207 = tpu.vector_load_idx %arg8[%add3A_197] : memref<1024xf32, #tpu.memory_space<vmem>>[vector<16xi32>], vector<16xf32>,
      %mul3A_208 = arith.constant 32 : i32
      %mul3A_209 = vector.broadcast %mul3A_208 : i32 to vector<16xi32>
      %mul3A_210 = arith.muli %gather3A_198, %mul3A_209 : vector<16xi32>
      %add3A_211 = arith.addi %mul3A_210, %gather3A_202 : vector<16xi32>
      %gather3A_212 = tpu.vector_load_idx %arg10[%add3A_211] : memref<1088xf32, #tpu.memory_space<vmem>>[vector<16xi32>], vector<16xf32>,
      %add3A_213 = arith.constant 1024 : i32
      %add3A_214 = vector.broadcast %add3A_213 : i32 to vector<16xi32>
      %add3A_215 = arith.addi %gather3A_198, %add3A_214 : vector<16xi32>
      %gather3A_216 = tpu.vector_load_idx %arg10[%add3A_215] : memref<1088xf32, #tpu.memory_space<vmem>>[vector<16xi32>], vector<16xf32>,
      %add3A_217 = arith.constant 1024 : i32
      %add3A_218 = vector.broadcast %add3A_217 : i32 to vector<16xi32>
      %add3A_219 = arith.addi %gather3A_198, %add3A_218 : vector<16xi32>
      %add3A_220 = arith.constant 32 : i32
      %add3A_221 = vector.broadcast %add3A_220 : i32 to vector<16xi32>
      %add3A_222 = arith.addi %add3A_219, %add3A_221 : vector<16xi32>
      %gather3A_223 = tpu.vector_load_idx %arg10[%add3A_222] : memref<1088xf32, #tpu.memory_space<vmem>>[vector<16xi32>], vector<16xf32>,
      %lt3A_224 = arith.cmpi slt, %add3A_206, %gather3A : vector<16xi32>
      %select_n3A_225 = arith.select %lt3A_224, %gather3A_207, %broadcast_in_dim3A_81 : vector<16xi1>, vector<16xf32>
      %add3A_226 = arith.constant 1 : i32
      %add3A_227 = vector.broadcast %add3A_226 : i32 to vector<16xi32>
      %add3A_228 = arith.addi %add3A_206, %add3A_227 : vector<16xi32>
      %lt3A_229 = arith.cmpi slt, %add3A_228, %gather3A : vector<16xi32>
      %select_n3A_230 = arith.select %lt3A_229, %gather3A_212, %broadcast_in_dim3A_81 : vector<16xi1>, vector<16xf32>
      %add3A_231 = arith.addf %select_n3A_225, %select_n3A_230 : vector<16xf32>
      %sub3A_232 = arith.constant 1 : i32
      %sub3A_233 = vector.broadcast %sub3A_232 : i32 to vector<16xi32>
      %sub3A_234 = arith.subi %gather3A, %sub3A_233 : vector<16xi32>
      %eq3A_235 = arith.cmpi eq, %add3A_206, %sub3A_234 : vector<16xi32>
      %select_n3A_236 = arith.select %eq3A_235, %gather3A_223, %broadcast_in_dim3A_81 : vector<16xi1>, vector<16xf32>
      %add3A_237 = arith.addf %add3A_231, %select_n3A_236 : vector<16xf32>
      %eq3A_238 = arith.constant 0 : i32
      %eq3A_239 = vector.broadcast %eq3A_238 : i32 to vector<16xi32>
      %eq3A_240 = arith.cmpi eq, %add3A_206, %eq3A_239 : vector<16xi32>
      %select_n3A_241 = arith.select %eq3A_240, %gather3A_216, %broadcast_in_dim3A_81 : vector<16xi1>, vector<16xf32>
      %add3A_242 = arith.addf %add3A_237, %select_n3A_241 : vector<16xf32>
      %add3A_243 = arith.addf %scan3A_193, %add3A_242 : vector<16xf32>
      scf.yield %add3A_243 : vector<16xf32>
    }
    %scan3A_188 = arith.constant 64 : i32
    %swap3A = arith.constant 0 : index
    %swap3A_189 = tpu.vector_load %arg12[%swap3A] {strides = array<i32>} : memref<16xf32, #tpu.memory_space<vmem>>, vector<16xf32>,
    tpu.vector_store %arg12[%swap3A], %scan3A_187 {strides = array<i32>} : memref<16xf32, #tpu.memory_space<vmem>>, vector<16xf32>,
    %mul3A_190 = arith.constant 16 : i32
    %mul3A_191 = arith.muli %add3A, %mul3A_190 : i32
    "tpu.region"() ({
      %run_scoped3A = tpu.sem_alloc : memref<!tpu.dma_semaphore, #tpu.memory_space<semaphore_mem>>
      %dma_start3A_192 = tpu.memref_slice %arg6[%mul3A_191] : memref<512xf32, #tpu.memory_space<hbm>> -> memref<16xf32, #tpu.memory_space<hbm>>
      %dma_start3A_193 = tpu.memref_slice %arg6[%mul3A_191] : memref<512xf32, #tpu.memory_space<hbm>> -> memref<16xf32, #tpu.memory_space<hbm>>
      tpu.enqueue_dma source(%arg12 : memref<16xf32, #tpu.memory_space<vmem>>) target(%dma_start3A_193 : memref<16xf32, #tpu.memory_space<hbm>>) target_semaphore(%run_scoped3A : memref<!tpu.dma_semaphore, #tpu.memory_space<semaphore_mem>>)
      %dma_wait3A_194 = tpu.memref_slice %arg6[%mul3A_191] : memref<512xf32, #tpu.memory_space<hbm>> -> memref<16xf32, #tpu.memory_space<hbm>>
      %dma_wait3A_195 = tpu.memref_slice %arg6[%mul3A_191] : memref<512xf32, #tpu.memory_space<hbm>> -> memref<16xf32, #tpu.memory_space<hbm>>
      tpu.wait_dma2 semaphore(%run_scoped3A : memref<!tpu.dma_semaphore, #tpu.memory_space<semaphore_mem>>) src(%arg12 : memref<16xf32, #tpu.memory_space<vmem>>) dst(%dma_wait3A_195 : memref<16xf32, #tpu.memory_space<hbm>>)
      tpu.yield
    }) : () -> ()
    return
  }
}

module attributes {stable_mosaic.version = 14 : i64} {
  func.func @_logz_body(%arg0: memref<256x128xi32, #tpu.memory_space<vmem>>, %arg1: memref<136x128xf32, #tpu.memory_space<vmem>>, %arg2: memref<48x256x128xf32, #tpu.memory_space<vmem>>, %arg3: memref<8x4xf32, #tpu.memory_space<vmem>>) attributes {dimension_semantics = [], scalar_prefetch = 0 : i64, scratch_operands = 0 : i64, tpu.core_type = #tpu.core_type<tc>} {
    %iota3A = tpu.iota {dimensions = array<i32: 0>} : vector<256x1xi32>
    %jit3A = arith.constant 4 : i32
    %div3A = vector.broadcast %jit3A : i32 to vector<256x1xi32>
    %div3A_0 = arith.divsi %iota3A, %div3A : vector<256x1xi32>
    %sign3A = arith.constant 0 : i32
    %sign3A_1 = vector.broadcast %sign3A : i32 to vector<256x1xi32>
    %sign3A_2 = arith.cmpi sgt, %iota3A, %sign3A_1 : vector<256x1xi32>
    %sign3A_3 = arith.extui %sign3A_2 : vector<256x1xi1> to vector<256x1xi32>
    %sign3A_4 = arith.constant 0 : i32
    %sign3A_5 = vector.broadcast %sign3A_4 : i32 to vector<256x1xi32>
    %sign3A_6 = arith.cmpi slt, %iota3A, %sign3A_5 : vector<256x1xi32>
    %sign3A_7 = arith.extui %sign3A_6 : vector<256x1xi1> to vector<256x1xi32>
    %sign3A_8 = arith.subi %sign3A_3, %sign3A_7 : vector<256x1xi32>
    %sign3A_9 = arith.constant 0 : i32
    %sign3A_10 = arith.cmpi sgt, %jit3A, %sign3A_9 : i32
    %sign3A_11 = arith.extui %sign3A_10 : i1 to i32
    %sign3A_12 = arith.constant 0 : i32
    %sign3A_13 = arith.cmpi slt, %jit3A, %sign3A_12 : i32
    %sign3A_14 = arith.extui %sign3A_13 : i1 to i32
    %sign3A_15 = arith.subi %sign3A_11, %sign3A_14 : i32
    %ne3A = vector.broadcast %sign3A_15 : i32 to vector<256x1xi32>
    %ne3A_16 = arith.cmpi ne, %sign3A_8, %ne3A : vector<256x1xi32>
    %rem3A = vector.broadcast %jit3A : i32 to vector<256x1xi32>
    %rem3A_17 = arith.remsi %iota3A, %rem3A : vector<256x1xi32>
    %ne3A_18 = arith.constant 0 : i32
    %ne3A_19 = vector.broadcast %ne3A_18 : i32 to vector<256x1xi32>
    %ne3A_20 = arith.cmpi ne, %rem3A_17, %ne3A_19 : vector<256x1xi32>
    %and3A = arith.andi %ne3A_16, %ne3A_20 : vector<256x1xi1>
    %sub3A = arith.constant 1 : i32
    %sub3A_21 = vector.broadcast %sub3A : i32 to vector<256x1xi32>
    %sub3A_22 = arith.subi %div3A_0, %sub3A_21 : vector<256x1xi32>
    %select_n3A = arith.select %and3A, %sub3A_22, %div3A_0 : vector<256x1xi1>, vector<256x1xi32>
    %mul3A = arith.constant 32 : i32
    %mul3A_23 = vector.broadcast %mul3A : i32 to vector<256x1xi32>
    %mul3A_24 = arith.muli %select_n3A, %mul3A_23 : vector<256x1xi32>
    %sub3A_25 = arith.constant 16 : i32
    %sub3A_26 = vector.broadcast %sub3A_25 : i32 to vector<256x1xi32>
    %sub3A_27 = arith.subi %mul3A_24, %sub3A_26 : vector<256x1xi32>
    %iota3A_28 = tpu.iota {dimensions = array<i32: 1>} : vector<128x128xi32>
    %jit3A_29 = arith.constant 32 : i32
    %div3A_30 = vector.broadcast %jit3A_29 : i32 to vector<128x128xi32>
    %div3A_31 = arith.divsi %iota3A_28, %div3A_30 : vector<128x128xi32>
    %sign3A_32 = arith.constant 0 : i32
    %sign3A_33 = vector.broadcast %sign3A_32 : i32 to vector<128x128xi32>
    %sign3A_34 = arith.cmpi sgt, %iota3A_28, %sign3A_33 : vector<128x128xi32>
    %sign3A_35 = arith.extui %sign3A_34 : vector<128x128xi1> to vector<128x128xi32>
    %sign3A_36 = arith.constant 0 : i32
    %sign3A_37 = vector.broadcast %sign3A_36 : i32 to vector<128x128xi32>
    %sign3A_38 = arith.cmpi slt, %iota3A_28, %sign3A_37 : vector<128x128xi32>
    %sign3A_39 = arith.extui %sign3A_38 : vector<128x128xi1> to vector<128x128xi32>
    %sign3A_40 = arith.subi %sign3A_35, %sign3A_39 : vector<128x128xi32>
    %sign3A_41 = arith.constant 0 : i32
    %sign3A_42 = arith.cmpi sgt, %jit3A_29, %sign3A_41 : i32
    %sign3A_43 = arith.extui %sign3A_42 : i1 to i32
    %sign3A_44 = arith.constant 0 : i32
    %sign3A_45 = arith.cmpi slt, %jit3A_29, %sign3A_44 : i32
    %sign3A_46 = arith.extui %sign3A_45 : i1 to i32
    %sign3A_47 = arith.subi %sign3A_43, %sign3A_46 : i32
    %ne3A_48 = vector.broadcast %sign3A_47 : i32 to vector<128x128xi32>
    %ne3A_49 = arith.cmpi ne, %sign3A_40, %ne3A_48 : vector<128x128xi32>
    %rem3A_50 = vector.broadcast %jit3A_29 : i32 to vector<128x128xi32>
    %rem3A_51 = arith.remsi %iota3A_28, %rem3A_50 : vector<128x128xi32>
    %ne3A_52 = arith.constant 0 : i32
    %ne3A_53 = vector.broadcast %ne3A_52 : i32 to vector<128x128xi32>
    %ne3A_54 = arith.cmpi ne, %rem3A_51, %ne3A_53 : vector<128x128xi32>
    %and3A_55 = arith.andi %ne3A_49, %ne3A_54 : vector<128x128xi1>
    %sub3A_56 = arith.constant 1 : i32
    %sub3A_57 = vector.broadcast %sub3A_56 : i32 to vector<128x128xi32>
    %sub3A_58 = arith.subi %div3A_31, %sub3A_57 : vector<128x128xi32>
    %select_n3A_59 = arith.select %and3A_55, %sub3A_58, %div3A_31 : vector<128x128xi1>, vector<128x128xi32>
    %iota3A_60 = tpu.iota {dimensions = array<i32: 0>} : vector<128x128xi32>
    %jit3A_61 = arith.constant 32 : i32
    %div3A_62 = vector.broadcast %jit3A_61 : i32 to vector<128x128xi32>
    %div3A_63 = arith.divsi %iota3A_60, %div3A_62 : vector<128x128xi32>
    %sign3A_64 = arith.constant 0 : i32
    %sign3A_65 = vector.broadcast %sign3A_64 : i32 to vector<128x128xi32>
    %sign3A_66 = arith.cmpi sgt, %iota3A_60, %sign3A_65 : vector<128x128xi32>
    %sign3A_67 = arith.extui %sign3A_66 : vector<128x128xi1> to vector<128x128xi32>
    %sign3A_68 = arith.constant 0 : i32
    %sign3A_69 = vector.broadcast %sign3A_68 : i32 to vector<128x128xi32>
    %sign3A_70 = arith.cmpi slt, %iota3A_60, %sign3A_69 : vector<128x128xi32>
    %sign3A_71 = arith.extui %sign3A_70 : vector<128x128xi1> to vector<128x128xi32>
    %sign3A_72 = arith.subi %sign3A_67, %sign3A_71 : vector<128x128xi32>
    %sign3A_73 = arith.constant 0 : i32
    %sign3A_74 = arith.cmpi sgt, %jit3A_61, %sign3A_73 : i32
    %sign3A_75 = arith.extui %sign3A_74 : i1 to i32
    %sign3A_76 = arith.constant 0 : i32
    %sign3A_77 = arith.cmpi slt, %jit3A_61, %sign3A_76 : i32
    %sign3A_78 = arith.extui %sign3A_77 : i1 to i32
    %sign3A_79 = arith.subi %sign3A_75, %sign3A_78 : i32
    %ne3A_80 = vector.broadcast %sign3A_79 : i32 to vector<128x128xi32>
    %ne3A_81 = arith.cmpi ne, %sign3A_72, %ne3A_80 : vector<128x128xi32>
    %rem3A_82 = vector.broadcast %jit3A_61 : i32 to vector<128x128xi32>
    %rem3A_83 = arith.remsi %iota3A_60, %rem3A_82 : vector<128x128xi32>
    %ne3A_84 = arith.constant 0 : i32
    %ne3A_85 = vector.broadcast %ne3A_84 : i32 to vector<128x128xi32>
    %ne3A_86 = arith.cmpi ne, %rem3A_83, %ne3A_85 : vector<128x128xi32>
    %and3A_87 = arith.andi %ne3A_81, %ne3A_86 : vector<128x128xi1>
    %sub3A_88 = arith.constant 1 : i32
    %sub3A_89 = vector.broadcast %sub3A_88 : i32 to vector<128x128xi32>
    %sub3A_90 = arith.subi %div3A_63, %sub3A_89 : vector<128x128xi32>
    %select_n3A_91 = arith.select %and3A_87, %sub3A_90, %div3A_63 : vector<128x128xi1>, vector<128x128xi32>
    %eq3A = arith.cmpi eq, %select_n3A_59, %select_n3A_91 : vector<128x128xi32>
    %get3A = arith.constant 0 : index
    %get3A_92 = arith.constant 0 : index
    %get3A_93 = vector.load %arg1[%get3A, %get3A_92] : memref<136x128xf32, #tpu.memory_space<vmem>>, vector<128x128xf32>
    %exp3A = math.exp %get3A_93 : vector<128x128xf32>
    %jit3A_94 = arith.constant 0.000000e+00 : f32
    %broadcast_in_dim3A = vector.broadcast %jit3A_94 : f32 to vector<128x128xf32>
    %select_n3A_95 = arith.select %eq3A, %exp3A, %broadcast_in_dim3A : vector<128x128xi1>, vector<128x128xf32>
    %convert_element_type3A = arith.truncf %select_n3A_95 : vector<128x128xf32> to vector<128x128xbf16>
    %get3A_96 = arith.constant 128 : index
    %get3A_97 = arith.constant 0 : index
    %get3A_98 = vector.load %arg1[%get3A_96, %get3A_97] : memref<136x128xf32, #tpu.memory_space<vmem>>, vector<1x128xf32>
    %get3A_99 = arith.constant 129 : index
    %get3A_100 = arith.constant 0 : index
    %get3A_101 = vector.load %arg1[%get3A_99, %get3A_100] : memref<136x128xf32, #tpu.memory_space<vmem>>, vector<1x128xf32>
    %get3A_102 = arith.constant 0 : index
    %get3A_103 = arith.constant 0 : index
    %get3A_104 = vector.load %arg0[%get3A_102, %get3A_103] : memref<256x128xi32, #tpu.memory_space<vmem>>, vector<256x128xi32>
    %get3A_105 = arith.constant 16 : index
    %get3A_106 = arith.constant 0 : index
    %get3A_107 = arith.constant 0 : index
    %get3A_108 = vector.load %arg2[%get3A_105, %get3A_106, %get3A_107] : memref<48x256x128xf32, #tpu.memory_space<vmem>>, vector<1x256x128xf32>
    %get3A_109 = vector.shape_cast %get3A_108 : vector<1x256x128xf32> to vector<256x128xf32>
    %add3A = vector.broadcast %get3A_98 : vector<1x128xf32> to vector<256x128xf32>
    %add3A_110 = arith.addf %add3A, %get3A_109 : vector<256x128xf32>
    %lt3A = arith.constant 4 : i32
    %lt3A_111 = vector.broadcast %lt3A : i32 to vector<256x1xi32>
    %lt3A_112 = arith.cmpi slt, %iota3A, %lt3A_111 : vector<256x1xi32>
    %broadcast_in_dim3A_113 = arith.constant 0.000000e+00 : f32
    %broadcast_in_dim3A_114 = vector.broadcast %broadcast_in_dim3A_113 : f32 to vector<256x128xf32>
    %broadcast_in_dim3A_115 = vector.shape_cast %lt3A_112 : vector<256x1xi1> to vector<256x1xi1>
    %broadcast_in_dim3A_116 = vector.broadcast %broadcast_in_dim3A_115 : vector<256x1xi1> to vector<256x128xi1>
    %select_n3A_117 = arith.select %broadcast_in_dim3A_116, %add3A_110, %broadcast_in_dim3A_114 : vector<256x128xi1>, vector<256x128xf32>
    %scan3A = arith.constant 0 : i32
    %scan3A_118 = arith.constant 16 : i32
    %scan3A_119 = arith.addi %scan3A, %scan3A_118 : i32
    %scan3A_120 = arith.constant 1 : i32
    %scan3A_121 = scf.for %scan3A_190 = %scan3A to %scan3A_119 step %scan3A_120 iter_args(%scan3A_191 = %select_n3A_117) -> (vector<256x128xf32>)  : i32 {
      %add3A_192 = vector.broadcast %scan3A_190 : i32 to vector<256x1xi32>
      %add3A_193 = arith.addi %sub3A_27, %add3A_192 : vector<256x1xi32>
      %reduce_max3A_194 = arith.constant dense<0xFF800000> : vector<256xf32>
      %reduce_max3A_195 = vector.multi_reduction <maximumf>, %scan3A_191, %reduce_max3A_194 [1] : vector<256x128xf32> to vector<256xf32>
      %broadcast_in_dim3A_196 = vector.shape_cast %reduce_max3A_195 : vector<256xf32> to vector<256x1xf32>
      %sub3A_197 = vector.broadcast %broadcast_in_dim3A_196 : vector<256x1xf32> to vector<256x128xf32>
      %sub3A_198 = arith.subf %scan3A_191, %sub3A_197 : vector<256x128xf32>
      %exp3A_199 = math.exp %sub3A_198 : vector<256x128xf32>
      %convert_element_type3A_200 = arith.truncf %exp3A_199 : vector<256x128xf32> to vector<256x128xbf16>
      %dot_general3A = arith.constant dense<0.000000e+00> : vector<256x128xf32>
      %dot_general3A_201 = tpu.matmul %convert_element_type3A_200, %convert_element_type3A, %dot_general3A {dimension_numbers = #tpu.dot_dimension_numbers<[1], [0], [0], [1], [0, 0, 1, 1], [], []>, transpose_lhs_hint = false} : vector<256x128xbf16>, vector<128x128xbf16>, vector<256x128xf32> -> vector<256x128xf32>
      %log3A_202 = math.log %dot_general3A_201 : vector<256x128xf32>
      %add3A_203 = vector.broadcast %broadcast_in_dim3A_196 : vector<256x1xf32> to vector<256x128xf32>
      %add3A_204 = arith.addf %add3A_203, %log3A_202 : vector<256x128xf32>
      %get3A_205 = arith.index_cast %scan3A_190 : i32 to index
      %get3A_206 = arith.constant 0 : index
      %get3A_207 = arith.constant 0 : index
      %get3A_208 = vector.load %arg2[%get3A_205, %get3A_206, %get3A_207] : memref<48x256x128xf32, #tpu.memory_space<vmem>>, vector<1x256x128xf32>
      %get3A_209 = vector.shape_cast %get3A_208 : vector<1x256x128xf32> to vector<256x128xf32>
      %add3A_210 = arith.addf %add3A_204, %get3A_209 : vector<256x128xf32>
      %ge3A = arith.constant 1 : i32
      %ge3A_211 = vector.broadcast %ge3A : i32 to vector<256x1xi32>
      %ge3A_212 = arith.cmpi sge, %add3A_193, %ge3A_211 : vector<256x1xi32>
      %lt3A_213 = vector.broadcast %add3A_193 : vector<256x1xi32> to vector<256x128xi32>
      %lt3A_214 = arith.cmpi slt, %lt3A_213, %get3A_104 : vector<256x128xi32>
      %and3A_215 = vector.broadcast %ge3A_212 : vector<256x1xi1> to vector<256x128xi1>
      %and3A_216 = arith.andi %and3A_215, %lt3A_214 : vector<256x128xi1>
      %select_n3A_217 = arith.select %and3A_216, %add3A_210, %scan3A_191 : vector<256x128xi1>, vector<256x128xf32>
      scf.yield %select_n3A_217 : vector<256x128xf32>
    }
    %scan3A_122 = arith.constant 16 : i32
    %slice3A = vector.extract_strided_slice %scan3A_121 {offsets = [0, 0], sizes = [256, 32], strides = [1, 1]} : vector<256x128xf32> to vector<256x32xf32>
    %slice3A_123 = vector.extract_strided_slice %scan3A_121 {offsets = [0, 32], sizes = [256, 32], strides = [1, 1]} : vector<256x128xf32> to vector<256x32xf32>
    %slice3A_124 = vector.extract_strided_slice %scan3A_121 {offsets = [0, 64], sizes = [256, 32], strides = [1, 1]} : vector<256x128xf32> to vector<256x32xf32>
    %slice3A_125 = vector.extract_strided_slice %scan3A_121 {offsets = [0, 96], sizes = [256, 32], strides = [1, 1]} : vector<256x128xf32> to vector<256x32xf32>
    %concatenate3A = tpu.concatenate %slice3A, %slice3A_123, %slice3A_124, %slice3A_125 in 0 : vector<256x32xf32>, vector<256x32xf32>, vector<256x32xf32>, vector<256x32xf32> -> vector<1024x32xf32>
    %reduce_max3A = arith.constant dense<0xFF800000> : vector<1024xf32>
    %reduce_max3A_126 = vector.multi_reduction <maximumf>, %concatenate3A, %reduce_max3A [1] : vector<1024x32xf32> to vector<1024xf32>
    %broadcast_in_dim3A_127 = vector.shape_cast %reduce_max3A_126 : vector<1024xf32> to vector<1024x1xf32>
    %sub3A_128 = vector.broadcast %broadcast_in_dim3A_127 : vector<1024x1xf32> to vector<1024x32xf32>
    %sub3A_129 = arith.subf %concatenate3A, %sub3A_128 : vector<1024x32xf32>
    %exp3A_130 = math.exp %sub3A_129 : vector<1024x32xf32>
    %reduce_sum3A = arith.constant dense<0.000000e+00> : vector<1024xf32>
    %reduce_sum3A_131 = vector.multi_reduction <add>, %exp3A_130, %reduce_sum3A [1] : vector<1024x32xf32> to vector<1024xf32>
    %broadcast_in_dim3A_132 = vector.shape_cast %reduce_sum3A_131 : vector<1024xf32> to vector<1024x1xf32>
    %log3A = math.log %broadcast_in_dim3A_132 : vector<1024x1xf32>
    %add3A_133 = arith.addf %broadcast_in_dim3A_127, %log3A : vector<1024x1xf32>
    %reshape3A = vector.shape_cast %add3A_133 : vector<1024x1xf32> to vector<4x64x4xf32>
    %scan3A_134 = arith.constant 16 : i32
    %scan3A_135 = arith.constant 32 : i32
    %scan3A_136 = arith.addi %scan3A_134, %scan3A_135 : i32
    %scan3A_137 = arith.constant 1 : i32
    %scan3A_138 = scf.for %scan3A_190 = %scan3A_134 to %scan3A_136 step %scan3A_137 iter_args(%scan3A_191 = %scan3A_121) -> (vector<256x128xf32>)  : i32 {
      %add3A_192 = vector.broadcast %scan3A_190 : i32 to vector<256x1xi32>
      %add3A_193 = arith.addi %sub3A_27, %add3A_192 : vector<256x1xi32>
      %reduce_max3A_194 = arith.constant dense<0xFF800000> : vector<256xf32>
      %reduce_max3A_195 = vector.multi_reduction <maximumf>, %scan3A_191, %reduce_max3A_194 [1] : vector<256x128xf32> to vector<256xf32>
      %broadcast_in_dim3A_196 = vector.shape_cast %reduce_max3A_195 : vector<256xf32> to vector<256x1xf32>
      %sub3A_197 = vector.broadcast %broadcast_in_dim3A_196 : vector<256x1xf32> to vector<256x128xf32>
      %sub3A_198 = arith.subf %scan3A_191, %sub3A_197 : vector<256x128xf32>
      %exp3A_199 = math.exp %sub3A_198 : vector<256x128xf32>
      %convert_element_type3A_200 = arith.truncf %exp3A_199 : vector<256x128xf32> to vector<256x128xbf16>
      %dot_general3A = arith.constant dense<0.000000e+00> : vector<256x128xf32>
      %dot_general3A_201 = tpu.matmul %convert_element_type3A_200, %convert_element_type3A, %dot_general3A {dimension_numbers = #tpu.dot_dimension_numbers<[1], [0], [0], [1], [0, 0, 1, 1], [], []>, transpose_lhs_hint = false} : vector<256x128xbf16>, vector<128x128xbf16>, vector<256x128xf32> -> vector<256x128xf32>
      %log3A_202 = math.log %dot_general3A_201 : vector<256x128xf32>
      %add3A_203 = vector.broadcast %broadcast_in_dim3A_196 : vector<256x1xf32> to vector<256x128xf32>
      %add3A_204 = arith.addf %add3A_203, %log3A_202 : vector<256x128xf32>
      %get3A_205 = arith.index_cast %scan3A_190 : i32 to index
      %get3A_206 = arith.constant 0 : index
      %get3A_207 = arith.constant 0 : index
      %get3A_208 = vector.load %arg2[%get3A_205, %get3A_206, %get3A_207] : memref<48x256x128xf32, #tpu.memory_space<vmem>>, vector<1x256x128xf32>
      %get3A_209 = vector.shape_cast %get3A_208 : vector<1x256x128xf32> to vector<256x128xf32>
      %add3A_210 = arith.addf %add3A_204, %get3A_209 : vector<256x128xf32>
      %ge3A = arith.constant 1 : i32
      %ge3A_211 = vector.broadcast %ge3A : i32 to vector<256x1xi32>
      %ge3A_212 = arith.cmpi sge, %add3A_193, %ge3A_211 : vector<256x1xi32>
      %lt3A_213 = vector.broadcast %add3A_193 : vector<256x1xi32> to vector<256x128xi32>
      %lt3A_214 = arith.cmpi slt, %lt3A_213, %get3A_104 : vector<256x128xi32>
      %and3A_215 = vector.broadcast %ge3A_212 : vector<256x1xi1> to vector<256x128xi1>
      %and3A_216 = arith.andi %and3A_215, %lt3A_214 : vector<256x128xi1>
      %select_n3A_217 = arith.select %and3A_216, %add3A_210, %scan3A_191 : vector<256x128xi1>, vector<256x128xf32>
      scf.yield %select_n3A_217 : vector<256x128xf32>
    }
    %scan3A_139 = arith.constant 32 : i32
    %slice3A_140 = vector.extract_strided_slice %scan3A_138 {offsets = [0, 0], sizes = [256, 32], strides = [1, 1]} : vector<256x128xf32> to vector<256x32xf32>
    %slice3A_141 = vector.extract_strided_slice %scan3A_138 {offsets = [0, 32], sizes = [256, 32], strides = [1, 1]} : vector<256x128xf32> to vector<256x32xf32>
    %slice3A_142 = vector.extract_strided_slice %scan3A_138 {offsets = [0, 64], sizes = [256, 32], strides = [1, 1]} : vector<256x128xf32> to vector<256x32xf32>
    %slice3A_143 = vector.extract_strided_slice %scan3A_138 {offsets = [0, 96], sizes = [256, 32], strides = [1, 1]} : vector<256x128xf32> to vector<256x32xf32>
    %concatenate3A_144 = tpu.concatenate %slice3A_140, %slice3A_141, %slice3A_142, %slice3A_143 in 0 : vector<256x32xf32>, vector<256x32xf32>, vector<256x32xf32>, vector<256x32xf32> -> vector<1024x32xf32>
    %reduce_max3A_145 = arith.constant dense<0xFF800000> : vector<1024xf32>
    %reduce_max3A_146 = vector.multi_reduction <maximumf>, %concatenate3A_144, %reduce_max3A_145 [1] : vector<1024x32xf32> to vector<1024xf32>
    %broadcast_in_dim3A_147 = vector.shape_cast %reduce_max3A_146 : vector<1024xf32> to vector<1024x1xf32>
    %sub3A_148 = vector.broadcast %broadcast_in_dim3A_147 : vector<1024x1xf32> to vector<1024x32xf32>
    %sub3A_149 = arith.subf %concatenate3A_144, %sub3A_148 : vector<1024x32xf32>
    %exp3A_150 = math.exp %sub3A_149 : vector<1024x32xf32>
    %reduce_sum3A_151 = arith.constant dense<0.000000e+00> : vector<1024xf32>
    %reduce_sum3A_152 = vector.multi_reduction <add>, %exp3A_150, %reduce_sum3A_151 [1] : vector<1024x32xf32> to vector<1024xf32>
    %broadcast_in_dim3A_153 = vector.shape_cast %reduce_sum3A_152 : vector<1024xf32> to vector<1024x1xf32>
    %log3A_154 = math.log %broadcast_in_dim3A_153 : vector<1024x1xf32>
    %add3A_155 = arith.addf %broadcast_in_dim3A_147, %log3A_154 : vector<1024x1xf32>
    %reshape3A_156 = vector.shape_cast %add3A_155 : vector<1024x1xf32> to vector<4x64x4xf32>
    %add3A_157 = vector.broadcast %get3A_101 : vector<1x128xf32> to vector<256x128xf32>
    %add3A_158 = arith.addf %scan3A_138, %add3A_157 : vector<256x128xf32>
    %slice3A_159 = vector.extract_strided_slice %add3A_158 {offsets = [0, 0], sizes = [256, 32], strides = [1, 1]} : vector<256x128xf32> to vector<256x32xf32>
    %slice3A_160 = vector.extract_strided_slice %add3A_158 {offsets = [0, 32], sizes = [256, 32], strides = [1, 1]} : vector<256x128xf32> to vector<256x32xf32>
    %slice3A_161 = vector.extract_strided_slice %add3A_158 {offsets = [0, 64], sizes = [256, 32], strides = [1, 1]} : vector<256x128xf32> to vector<256x32xf32>
    %slice3A_162 = vector.extract_strided_slice %add3A_158 {offsets = [0, 96], sizes = [256, 32], strides = [1, 1]} : vector<256x128xf32> to vector<256x32xf32>
    %concatenate3A_163 = tpu.concatenate %slice3A_159, %slice3A_160, %slice3A_161, %slice3A_162 in 0 : vector<256x32xf32>, vector<256x32xf32>, vector<256x32xf32>, vector<256x32xf32> -> vector<1024x32xf32>
    %reduce_max3A_164 = arith.constant dense<0xFF800000> : vector<1024xf32>
    %reduce_max3A_165 = vector.multi_reduction <maximumf>, %concatenate3A_163, %reduce_max3A_164 [1] : vector<1024x32xf32> to vector<1024xf32>
    %broadcast_in_dim3A_166 = vector.shape_cast %reduce_max3A_165 : vector<1024xf32> to vector<1024x1xf32>
    %sub3A_167 = vector.broadcast %broadcast_in_dim3A_166 : vector<1024x1xf32> to vector<1024x32xf32>
    %sub3A_168 = arith.subf %concatenate3A_163, %sub3A_167 : vector<1024x32xf32>
    %exp3A_169 = math.exp %sub3A_168 : vector<1024x32xf32>
    %reduce_sum3A_170 = arith.constant dense<0.000000e+00> : vector<1024xf32>
    %reduce_sum3A_171 = vector.multi_reduction <add>, %exp3A_169, %reduce_sum3A_170 [1] : vector<1024x32xf32> to vector<1024xf32>
    %broadcast_in_dim3A_172 = vector.shape_cast %reduce_sum3A_171 : vector<1024xf32> to vector<1024x1xf32>
    %log3A_173 = math.log %broadcast_in_dim3A_172 : vector<1024x1xf32>
    %add3A_174 = arith.addf %broadcast_in_dim3A_166, %log3A_173 : vector<1024x1xf32>
    %reshape3A_175 = vector.shape_cast %add3A_174 : vector<1024x1xf32> to vector<4x64x4xf32>
    %slice3A_176 = vector.extract_strided_slice %reshape3A {offsets = [0, 0, 0], sizes = [4, 1, 4], strides = [1, 1, 1]} : vector<4x64x4xf32> to vector<4x1x4xf32>
    %squeeze3A = vector.shape_cast %slice3A_176 : vector<4x1x4xf32> to vector<4x4xf32>
    %sub3A_177 = arith.subf %reshape3A_156, %reshape3A : vector<4x64x4xf32>
    %reduce_sum3A_178 = arith.constant dense<0.000000e+00> : vector<4x4xf32>
    %reduce_sum3A_179 = vector.multi_reduction <add>, %sub3A_177, %reduce_sum3A_178 [1] : vector<4x64x4xf32> to vector<4x4xf32>
    %add3A_180 = arith.addf %squeeze3A, %reduce_sum3A_179 : vector<4x4xf32>
    %sub3A_181 = arith.subf %reshape3A_175, %reshape3A_156 : vector<4x64x4xf32>
    %slice3A_182 = vector.extract_strided_slice %sub3A_181 {offsets = [0, 63, 0], sizes = [4, 1, 4], strides = [1, 1, 1]} : vector<4x64x4xf32> to vector<4x1x4xf32>
    %squeeze3A_183 = vector.shape_cast %slice3A_182 : vector<4x1x4xf32> to vector<4x4xf32>
    %add3A_184 = arith.addf %add3A_180, %squeeze3A_183 : vector<4x4xf32>
    %broadcast_in_dim3A_185 = arith.constant 0.000000e+00 : f32
    %broadcast_in_dim3A_186 = vector.broadcast %broadcast_in_dim3A_185 : f32 to vector<4x4xf32>
    %concatenate3A_187 = tpu.concatenate %add3A_184, %broadcast_in_dim3A_186 in 0 : vector<4x4xf32>, vector<4x4xf32> -> vector<8x4xf32>
    %swap3A = arith.constant 0 : index
    %swap3A_188 = arith.constant 0 : index
    %swap3A_189 = vector.load %arg3[%swap3A, %swap3A_188] : memref<8x4xf32, #tpu.memory_space<vmem>>, vector<8x4xf32>
    tpu.vector_store %arg3[%swap3A, %swap3A_188], %concatenate3A_187 {strides = array<i32>} : memref<8x4xf32, #tpu.memory_space<vmem>>, vector<8x4xf32>,
    return
  }
}

</mosaic_0001>

<sc_bundles>
// kernel: gather_offload_async_start
scs
__scs_entry_jumppad:
0x0: {  	(pc) =	sbr.rel $0x88, $3  }
0x1: {  	(tag) =	ssettag $0x0;
	lr =	simm.s32 $0x1  }
0x2: {  	[smem:$0x3F9B] =	sst lr;
	_ =	strace $0xD0000000  }
0x3: {  	_ = 	snop  }
0x4: {  	_ = 	snop  }
0x5: {  	_ = 	snop  }
0x6: {  	_ = 	snop  }
0x7: {  	_ = 	snop  }
__scs_overlays_trampoline_lowered:
0x8: {  	[smem:$0x3FAA] =	sst s0  }
0x9: {  	[smem:$0x3FAB] =	sst s1  }
0xa: {  	[smem:$0x3FAC] =	sst s2  }
0xb: {  	[smem:$0x3FAD] =	sst s3  }
0xc: {  	[smem:$0x3FAE] =	sst s4  }
0xd: {  	[smem:$0x3FAF] =	sst s5  }
0xe: {  	[smem:$0x3FB0] =	sst s6  }
0xf: {  	[smem:$0x3FB1] =	sst s7  }
0x10: {  	[smem:$0x3FB2] =	sst s8  }
0x11: {  	[smem:$0x3FB3] =	sst s9;
	s0 =	simm.s32 @!p0 $0x0  }
0x12: {  	s1 =	sld [smem:$0x3F99];
	s0 =	simm.s32 @p0 $0x1  }
0x13: {  	[smem:$0x3FB4] =	sst s0;
	s0 =	simm.s32 @!p1 $0x0  }
0x14: {  	s2 =	sld [smem:$0x3F98];
	s0 =	simm.s32 @p1 $0x1  }
0x15: {  	[smem:$0x3FB5] =	sst s0;
	s0 =	simm.s32 @!p2 $0x0  }
0x16: {  	s3 =	sld [smem:$0x3FDB];
	s0 =	simm.s32 @p2 $0x1  }
0x17: {  	s4 =	simm.s32 $0x1BF5;
	[smem:$0x3FB7] =	sst s0  }
0x18: {  	s0 =	sld [smem:$0x3F9A];
	_ =	swait.ge [sflag:s4], $0x0  }
0x19: {  	s7 =	sld [smem:$0x3F9B]  }
0x1a: {  	s8 =	sadd.s32 $0xFFFFE003, lr  }
0x1b: {  	s9 =	sadd.s32 $0xFFFFFEF7, lr;
	s5 =	simm.s32 $0xFFFFFFFF;
	p2 =	slt.u32 s8, $0xFFFFF086  }
0x1c: {  	p1 =	slt.u32 s9, $0xF7A;
	s5 =	simm.s32 @!p2 $0x0  }
0x1d: {  	s5 =	simm.s32 @p1 $0x1;
	p0 =	seq.s32 s7, s2  }
0x1e: {  	s7 =	smul.u32 @!p0 $0xF7A, s2;
	p2 =	seq.s32 @!p0 s5, $0x0  }
0x1f: {  	s9 =	smul.u32 $0xF7A, s1;
	s8 =	simm.s32 @!p0 $0x1BF5;
	p2 =	por !p2, p0  }
0x20: {  	[sflag:s8] =	ssyncset.s32 @!p0 $0xFFFFF086;
	s6 =	sadd.s32 @!p0 s3, s7;
	s7 =	simm.s32 @!p0 $0x108  }
0x21: {  	s3 =	sadd.s32 s3, s9;
	s6 =	sadd.s32 @!p0 $0x88, s6;
	s7 =	simm.s32 @p2 $0x1082  }
0x22: {  	[simem:s7], [sflag:s8] =	dma.local @!p0 [hbm:s6], $0xF7A  }
0x23: {  	s9 =	sor.u32 $0xD0000000, s2;
	s6 =	simm.s32 $0x108;
	_ =	swait.ge @!p0 [sflag:s8], $0x0  }
0x24: {  	s3 =	sadd.s32 $0x88, s3;
	s6 =	simm.s32 @!p1 $0x1082;
	[sflag:s4] =	ssyncset.s32 $0xFFFFF086  }
0x25: {  	[simem:s6], [sflag:s4] =	dma.local [hbm:s3], $0xF7A  }
0x26: {  	[smem:$0x3F9B] =	sst s1;
	(tag) =	ssettag s2;
	_ =	strace s9  }
0x27: {  	s1 =	sld [smem:$0x3FAB]  }
0x28: {  	s2 =	sld [smem:$0x3FAC]  }
0x29: {  	s4 =	sld [smem:$0x3FAE]  }
0x2a: {  	p0 =	seq.s32 s5, $0x0;
	s5 =	sld [smem:$0x3FAF]  }
0x2b: {  	s6 =	sld [smem:$0x3FB0]  }
0x2c: {  	s7 =	sld [smem:$0x3FB1]  }
0x2d: {  	s3 =	simm.s32 $0x108;
	s8 =	sld [smem:$0x3FB2]  }
0x2e: {  	s3 =	simm.s32 @!p0 $0x1082;
	s9 =	sld [smem:$0x3FB3]  }
0x2f: {  	lr =	sadd.s32 s0, s3;
	s0 =	sld [smem:$0x3FAA]  }
0x30: {  	s3 =	sld [smem:$0x3FAD]  }
0x31: {  	[smem:$0x3FB6] =	sst s10  }
0x32: {  	s10 =	sld [smem:$0x3FB4];
	_ =	sdelay $0x3  }
0x33: {  	p0 =	seq.s32 s10, $0x1;
	s10 =	sld [smem:$0x3FB6];
	_ =	sdelay $0x3  }
0x34: {  	[smem:$0x3FB6] =	sst s10  }
0x35: {  	s10 =	sld [smem:$0x3FB5];
	_ =	sdelay $0x3  }
0x36: {  	p1 =	seq.s32 s10, $0x1;
	s10 =	sld [smem:$0x3FB6];
	_ =	sdelay $0x3  }
0x37: {  	[smem:$0x3FB6] =	sst s10  }
0x38: {  	s10 =	sld [smem:$0x3FB7]  }
0x39: {  	_ = 	snop;
	(pc) =	sbr.ind lr, $3  }
0x3a: {  	_ = 	snop  }
0x3b: {  	_ = 	snop  }
0x3c: {  	p2 =	seq.s32 s10, $0x1;
	s10 =	sld [smem:$0x3FB6]  }
0x3d: {  	_ =	shalt  }
0x3e: {  	_ =	shalt  }
0x3f: {  	_ =	shalt  }
0x40: {  	_ =	shalt  }
0x41: {  	_ =	shalt  }
0x42: {  	_ =	shalt  }
0x43: {  	_ =	shalt  }
0x44: {  	_ =	shalt  }
0x45: {  	_ =	shalt  }
0x46: {  	_ =	shalt  }
0x47: {  	_ =	shalt  }
0x48: {  	_ =	shalt  }
0x49: {  	_ =	shalt  }
0x4a: {  	_ =	shalt  }
0x4b: {  	_ =	shalt  }
0x4c: {  	_ =	shalt  }
0x4d: {  	_ =	shalt  }
0x4e: {  	_ =	shalt  }
0x4f: {  	_ =	shalt  }
0x50: {  	_ =	shalt  }
0x51: {  	_ =	shalt  }
0x52: {  	_ =	shalt  }
0x53: {  	_ =	shalt  }
0x54: {  	_ =	shalt  }
0x55: {  	_ =	shalt  }
0x56: {  	_ =	shalt  }
0x57: {  	_ =	shalt  }
0x58: {  	_ =	shalt  }
0x59: {  	_ =	shalt  }
0x5a: {  	_ =	shalt  }
0x5b: {  	_ =	shalt  }
0x5c: {  	_ =	shalt  }
0x5d: {  	_ =	shalt  }
0x5e: {  	_ =	shalt  }
0x5f: {  	_ =	shalt  }
0x60: {  	_ =	shalt  }
0x61: {  	_ =	shalt  }
0x62: {  	_ =	shalt  }
0x63: {  	_ =	shalt  }
0x64: {  	_ =	shalt  }
0x65: {  	_ =	shalt  }
0x66: {  	_ =	shalt  }
0x67: {  	_ =	shalt  }
0x68: {  	_ =	shalt  }
0x69: {  	_ =	shalt  }
0x6a: {  	_ =	shalt  }
0x6b: {  	_ =	shalt  }
0x6c: {  	_ =	shalt  }
0x6d: {  	_ =	shalt  }
0x6e: {  	_ =	shalt  }
0x6f: {  	_ =	shalt  }
0x70: {  	_ =	shalt  }
0x71: {  	_ =	shalt  }
0x72: {  	_ =	shalt  }
0x73: {  	_ =	shalt  }
0x74: {  	_ =	shalt  }
0x75: {  	_ =	shalt  }
0x76: {  	_ =	shalt  }
0x77: {  	_ =	shalt  }
0x78: {  	_ =	shalt  }
0x79: {  	_ =	shalt  }
0x7a: {  	_ =	shalt  }
0x7b: {  	_ =	shalt  }
0x7c: {  	_ =	shalt  }
0x7d: {  	_ =	shalt  }
0x7e: {  	_ =	shalt  }
0x7f: {  	_ =	shalt  }
0x80: {  	_ =	shalt  }
0x81: {  	_ =	shalt  }
0x82: {  	_ =	shalt  }
0x83: {  	_ =	shalt  }
0x84: {  	_ =	shalt  }
0x85: {  	_ =	shalt  }
0x86: {  	_ =	shalt  }
0x87: {  	_ =	shalt  }
.Lfunc_end0:
.L_simem_size_0:
called_computation_lowered:
.L_overlay_start_0:
0x88: {  	s2 =	sld [smem:$0x3FD9]  }
0x89: {  	s3 =	sld [smem:$0x3FFE];
	_ =	sdelay $0x1  }
0x8a: {  	s1 =	srdreg.scid  }
0x8b: {  	s0 =	sand.u32 $0x1, s1  }
0x8c: {  	s16 =	sshll.u32 s0, $0xA;
	s2 =	sadd.s32 s3, s2  }
0x8d: {  	s2 =	sadd.s32 s2, s16  }
0x8e: {  	[smem:$0x3FC2] =	sst s2  }
0x8f: {  	_ = 	snop  }
0x90: {  	(tm) =	ssettm $0x1  }
0x91: {  	s17 =	sld [smem:$0x3FFB];
	_ =	sdelay $0x3  }
0x92: {  	_ =	strace s17  }
0x93: {  	s2 =	sld [smem:$0x3FFC];
	_ =	sdelay $0x3  }
0x94: {  	_ =	strace s2  }
0x95: {  	s2 =	sld [smem:$0x3FFD];
	_ =	sdelay $0x3  }
0x96: {  	_ =	strace s2  }
0x97: {  	_ =	strace $0x8FFFFFFF  }
0x98: {  	s18 =	sld [smem:$0x3FDB];
	_ =	sdelay $0x1  }
0x99: {  	s19 =	simm.s32 $_scs_section_size  }
0x9a: {  	s4 =	simm.s32 $_size__tile_overlayer_lowered;
	s5 =	simm.s32 $_tile_overlayer_lowered  }
0x9b: {  	s22 =	simm.s32 $0x1BFF;
	s21 =	sshll.u32 s5, $0x1;
	s2 =	sadd.s32 s19, s18  }
0x9c: {  	s6 =	simm.s32 $0x0;
	s20 =	sshll.u32 s4, $0x1;
	s4 =	sadd.s32 s21, s2  }
0x9d: {  	[timem:s6], [sflag:s22] =	dma.local [hbm:s4], s20  }
0x9e: {  	_ =	swait.ge [sflag:s22], s20  }
0x9f: {  	s3 =	ssub.s32 $0x0, s20;
	[sflag:s22] =	ssyncset.done $0x0  }
0xa0: {  	[sflag:s22] =	ssyncadd.s32 s3;
	_ =	sdelay $0x1  }
0xa1: {  	s23 =	simm.s32 $0x1B8B  }
0xa2: {  	_ =	swait.ge [sflag:s23], $0x1  }
0xa3: {  	[sflag:s23] =	ssyncset.done $0x0  }
0xa4: {  	s25 =	simm.s32 $0x1B8E;
	s24 =	sld [smem:$0x3FFE];
	[sflag:s23] =	ssyncadd.s32 $0xFFFFFFFF  }
0xa5: {  	s26 =	simm.s32 $execute0_lowered;
	[smem:$0x3FD2] =	sst s25  }
0xa6: {  	s4 =	sshll.u32 s26, $0x1;
	_ =	strace $0x80000046;
	[dreg:$0x1] =	wrdreg $0xFFFFFFFF  }
0xa7: {  	s28 =	simm.s32 $_size_execute0_lowered;
	s2 =	sadd.s32 s2, s4;
	[dreg:$0x0] =	wrdreg $0x0  }
0xa8: {  	s4 =	sshll.u32 s28, $0x1;
	[dreg:$0x2] =	wrdreg s2  }
0xa9: {  	[dreg:$0x3] =	wrdreg s4  }
0xaa: {  	[dreg:$0x4] =	wrdreg $0xC0  }
0xab: {  	_ =	task [dreg:s6], $0x5FFFF  }
0xac: {  	[dreg:$0x1] =	wrdreg $0xFFFFFFFF  }
0xad: {  	[dreg:$0x0] =	wrdreg $0x60  }
0xae: {  	[dreg:$0x2] =	wrdreg s24  }
0xaf: {  	[dreg:$0x3] =	wrdreg $0x9  }
0xb0: {  	_ =	task.clear_ibuf [dreg:s6], $0x4FFFF;
	_ =	strace $0x90000046  }
0xb1: {  	s29 =	simm.s32 $0x9;
	_ =	strace $0x80000048  }
0xb2: {  	_ =	swait.ge [sflag:s29], $0x1  }
0xb3: {  	[sflag:s29] =	ssyncadd.s32 $0xFFFFFFFF  }
0xb4: {  	_ =	strace $0x90000048  }
0xb5: {  	_ =	sfence  }
0xb6: {  	s30 =	sld [smem:$0x0];
	_ =	sdelay $0x2  }
0xb7: {  	s31 =	sshll.u32 s1, $0xD;
	s1 =	sshrl.u32 s1, $0x2  }
0xb8: {  	s3 =	sand.u32 $0x4000, s31;
	s1 =	sadd.s32 s1, s30  }
0xb9: {  	s0 =	sor.u32 s3, s0;
	s1 =	sshll.u32 s1, $0x11  }
0xba: {  	s0 =	sor.u32 s1, s0  }
0xbb: {  	s0 =	sadd.s32 $0x8F2B, s0  }
0xbc: {  	[sflag:s0] =	ssyncadd.remote.s32 $0x1  }
0xbd: {  	_ =	sfence.sel $0xFFFF  }
0xbe: {  	[dreg:$0x0] =	wrdreg $0xFFFFFFFF;
	(pc) =	sbr.abs _section_cstart, $3  }
0xbf: {  	[dreg:$0x1] =	wrdreg $0xFFFFFFFF  }
0xc0: {  	_ =	task.clear_ibuf [dreg:s6], $0x2FFFF;
	_ =	strace $0x9FFFFFFF  }
0xc1: {  	(tm) =	ssettm $0x7FFFFFFF  }
tec
execute0_lowered:
.L_overlay_start_1:
0x0: {  	(tag) =	ssettag $0x1  }
0x1: {  	s7 =	rddreg [dreg:$0x0]  }
0x2: {  	s1 =	srdreg.scid;
	s0 =	rddreg [dreg:$0x1]  }
0x3: {  	_ =	strace $0x80000047;
	s3 =	simm.s32 $0x1;
	s5 =	simm.s32 $0x2  }
0x4: {  	s9 =	simm.s32 $0x3;
	s12 =	simm.s32 $0x0;
	s2 =	sshll.u32 s1, $0x4  }
.Ltmp0:
0x5: {  	s1 =	stileid.u32;
	s4 =	sand.u32 $0x10, s2;
	(pc) =	sbr.rel .LBB2_1-.Ltmp0, $4  }
0x6: {  	s10 =	simm.s32 $0x0;
	[sflag:s3] =	ssyncpa.u1 $0x0;
	s4 =	sor.u32 s1, s4  }
0x7: {  	s6 =	sadd.s32 $0x21000, s7;
	[sflag:s5] =	ssyncpa.u1 $0x0;
	s4 =	smul.u32 $0x60, s4  }
0x8: {  	s2 =	sadd.s32 $0x1000, s7;
	s7 =	sadd.s32 $0x22400, s7;
	[sflag:s9] =	ssyncpa.u1 $0x0  }
0x9: {  	vm0 =	vmmov $0xffff;
	s9 =	simm.s32 $0x60;
	s8 =	sadd.s32 $0x60, s4;
	s11 =	smov.u32 s4  }
.LBB2_10:
0xa: {  	s12 =	sshrl.u32 s11, $0x3  }
0xb: {  	s13 =	sand.u32 $0x7, s11;
	s12 =	sadd.s32 s6, s12  }
0xc: {  	[tilespmem:s9], [sflag:$0x2] =	stream.linear.gather [hbm4b:s12+s13], $0x60, $0x38;
	[tilespmem:$0x180C0] =	vst v63  }
.LBB2_8:
0xd: {  	s12 =	sadd.s32 $0x60, s11  }
0xe: {  	s13 =	smov.u32 s4;
	p0 =	slt.s32 s12, s8  }
0xf: {  	s13 =	smov.u32 @p0 s12  }
0x10: {  	s10 =	sadd.s32 $0x1, s10;
	s12 =	smov.u32 s11;
	s11 =	smov.u32 s13  }
.LBB2_1:
0x11: {  	p0 =	seq.s32 s10, $0x0  }
.Ltmp1:
0x12: {  	_ = 	snop;
	(pc) =	sbr.rel @p0 .LBB2_10-.Ltmp1, $1  }
0x13: {  	_ =	sdelay $0x3  }
0x14: {  	p0 =	seq.s32 s10, $0x1  }
.Ltmp2:
0x15: {  	_ = 	snop;
	(pc) =	sbr.rel @!p0 .LBB2_9-.Ltmp2, $1  }
0x16: {  	_ =	sdelay $0x3  }
0x17: {  	_ =	swait.ge [sflag:s5], $0x60  }
0x18: {  	[sflag:s5] =	ssyncset.done $0x0  }
0x19: {  	s13 =	simm.s32 $0x0;
	[sflag:s5] =	ssyncadd.s32 $0xFFFFFFA0  }
0x1a: {  	v0 =	vld.msk [tilespmem:s13+$0x60 ss:$0x1], $0xffff;
	_ =	sdelay $0x4  }
0x1b: {  	vm1 =	vgt.s32 v0, $0x0  }
0x1c: {  	v0 =	vnsel vm1, $0x0, v0  }
0x1d: {  	v0 =	vmin.u32 v0, $0x7FF  }
0x1e: {  	v0 =	vshll.u32 v0, $0x6;
	_ =	sdelay $0x3  }
0x1f: {  	s14 =	simm.s32 $0x10;
	s13 =	simm.s32 $0xC0C0  }
0x20: {  	[tilespmem:s13], [sflag:$0x1] =	stream.indirect_vreg.gather [hbm:s2], $0x200, v0, vm0, $0x38;
	[tilespmem:$0x180C0] =	vst v63  }
0x21: {  	v0 =	vld.msk [tilespmem:s14+$0x60 ss:$0x1], $0xffff;
	s14 =	simm.s32 $0x80  }
.LBB2_4:
0x22: {  	p0 =	sne.s32 s14, $0x140;
	_ =	sdelay $0x4  }
0x23: {  	vm1 =	vgt.s32 v0, $0x0  }
0x24: {  	v0 =	vnsel vm1, $0x0, v0  }
0x25: {  	v0 =	vmin.u32 v0, $0x7FF  }
0x26: {  	v0 =	vshll.u32 v0, $0x6;
	_ =	sdelay $0x1  }
.Ltmp3:
0x27: {  	(pc) =	sbr.rel @p0 .LBB2_4-.Ltmp3, $4  }
0x28: {  	_ = 	snop  }
0x29: {  	s15 =	sshra.s32 s14, $0x2;
	s13 =	sadd.s32 $0x2000, s13  }
0x2a: {  	[tilespmem:s13], [sflag:$0x1] =	stream.indirect_vreg.gather [hbm:s2], $0x200, v0, vm0, $0x38;
	[tilespmem:$0x180C0] =	vst v63  }
0x2b: {  	s14 =	sadd.s32 $0x40, s14;
	v0 =	vld.msk [tilespmem:s15+$0x60 ss:$0x1], $0xffff  }
0x2c: {  	_ =	sdelay $0x3  }
0x2d: {  	vm1 =	vgt.s32 v0, $0x0  }
0x2e: {  	v0 =	vnsel vm1, $0x0, v0  }
0x2f: {  	v0 =	vmin.u32 v0, $0x7FF  }
0x30: {  	v0 =	vshll.u32 v0, $0x6;
	_ =	sdelay $0x3  }
0x31: {  	s13 =	sadd.s32 $0x2000, s13  }
0x32: {  	[tilespmem:s13], [sflag:$0x1] =	stream.indirect_vreg.gather [hbm:s2], $0x200, v0, vm0, $0x38;
	[tilespmem:$0x180C0] =	vst v63  }
0x33: {  	s12 =	sshll.u32 s12, $0x6;
	s14 =	simm.s32 $0x40;
	_ =	swait.ge [sflag:s3], $0xC000  }
0x34: {  	s15 =	simm.s32 $0xC2C0;
	s12 =	sadd.s32 s12, s7;
	[sflag:s3] =	ssyncset.done $0x0  }
0x35: {  	s16 =	sadd.s32 $0x0, s12;
	s13 =	simm.s32 $0xC0C0;
	[sflag:s3] =	ssyncadd.s32 $0xFFFF4000  }
.LBB2_6:
0x36: {  	[hbm:s16] =	stream.linear.scatter [tilespmem:s13], [sflag:$0x3], $0x200, $0x38;
	[tilespmem:$0x180C0] =	vst v63  }
0x37: {  	s16 =	smov.u32 s14;
	s13 =	smov.u32 s15;
	p0 =	seq.s32 s14, $0x17C0  }
.Ltmp4:
0x38: {  	s14 =	sadd.s32 $0x40, s14;
	(pc) =	sbr.rel @!p0 .LBB2_6-.Ltmp4, $2  }
0x39: {  	_ =	sdelay $0x2  }
0x3a: {  	s15 =	sadd.s32 $0x200, s15;
	s16 =	sadd.s32 s16, s12  }
.Ltmp5:
0x3b: {  	(pc) =	sbr.rel .LBB2_8-.Ltmp5, $2  }
0x3c: {  	_ =	sdelay $0x2  }
0x3d: {  	[hbm:s16] =	stream.linear.scatter [tilespmem:s13], [sflag:$0x3], $0x200, $0x38;
	[tilespmem:$0x180C0] =	vst v63  }
.LBB2_9:
0x3e: {  	s2 =	simm.s32 $0x3  }
0x3f: {  	_ =	swait.ge [sflag:s2], $0xC000  }
0x40: {  	[sflag:s2] =	ssyncset.done $0x0  }
0x41: {  	[sflag:s2] =	ssyncadd.s32 $0xFFFF4000  }
0x42: {  	_ =	sfence.sel $0x180000  }
0x43: {  	s3 =	simm.s32 $0x2;
	[bflag:$0x0] =	sbarrier.arrive $0xFFFF  }
0x44: {  	[sflag:s3] =	ssyncpa.u1 $0x1  }
0x45: {  	s31 =	simm.s32 $0x1;
	[sflag:s2] =	ssyncpa.u1 $0x1  }
0x46: {  	[sflag:s31] =	ssyncpa.u1 $0x1  }
0x47: {  	p0 =	sne.s32 s1, $0x0;
	_ =	strace $0x90000047  }
0x48: {  	s0 =	sadd.s32 @!p0 $0x100000, s0;
	[bflag:$0x2] =	sbarrier.arrive $0xFFFF  }
0x49: {  	[sflag:s0] =	ssyncadd.tile.s32 @!p0 $0x1;
	_ =	shalt  }
.Lfunc_end2:
_tile_overlayer_lowered:
.L_overlay_start_2:
0x4a: {  	(tag) =	ssettag $0x2  }
0x4b: {  	s0 =	rddreg [dreg:$0x0];
	s2 =	stileid.u32  }
0x4c: {  	s1 =	rddreg [dreg:$0x1];
	p0 =	sne.s32 s2, $0x0  }
0x4d: {  	s3 =	rddreg [dreg:$0x2];
	[bflag:$0x3] =	sbarrier.arrive $0xFFFF;
	s2 =	simm.s32 @!p0 $0x1C01  }
0x4e: {  	[timem:s3], [sflag:s2] =	dma.local @!p0 [hbm:s0], s1  }
0x4f: {  	s0 =	simm.s32 @!p0 $0x1  }
0x50: {  	_ =	swait.ge @!p0 [sflag:s0], s1  }
0x51: {  	s1 =	ssub.s32 @!p0 $0x0, s1;
	[sflag:s0] =	ssyncset.done @!p0 $0x0  }
0x52: {  	[sflag:s0] =	ssyncadd.s32 @!p0 s1  }
0x53: {  	[bflag:$0x3] =	sbarrier.arrive $0xFFFF  }
0x54: {  	_ =	shalt  }

// kernel: kernel.4.cloned.1.call-start
scs
__scs_entry_jumppad:
0x0: {  	(pc) =	sbr.rel $0x88, $3  }
0x1: {  	(tag) =	ssettag $0x0;
	lr =	simm.s32 $0x1  }
0x2: {  	[smem:$0x3F9B] =	sst lr;
	_ =	strace $0xD0000000  }
0x3: {  	_ = 	snop  }
0x4: {  	_ = 	snop  }
0x5: {  	_ = 	snop  }
0x6: {  	_ = 	snop  }
0x7: {  	_ = 	snop  }
__scs_overlays_trampoline_lowered:
0x8: {  	[smem:$0x3FAA] =	sst s0  }
0x9: {  	[smem:$0x3FAB] =	sst s1  }
0xa: {  	[smem:$0x3FAC] =	sst s2  }
0xb: {  	[smem:$0x3FAD] =	sst s3  }
0xc: {  	[smem:$0x3FAE] =	sst s4  }
0xd: {  	[smem:$0x3FAF] =	sst s5  }
0xe: {  	[smem:$0x3FB0] =	sst s6  }
0xf: {  	[smem:$0x3FB1] =	sst s7  }
0x10: {  	[smem:$0x3FB2] =	sst s8  }
0x11: {  	[smem:$0x3FB3] =	sst s9;
	s0 =	simm.s32 @!p0 $0x0  }
0x12: {  	s1 =	sld [smem:$0x3F99];
	s0 =	simm.s32 @p0 $0x1  }
0x13: {  	[smem:$0x3FB4] =	sst s0;
	s0 =	simm.s32 @!p1 $0x0  }
0x14: {  	s2 =	sld [smem:$0x3F98];
	s0 =	simm.s32 @p1 $0x1  }
0x15: {  	[smem:$0x3FB5] =	sst s0;
	s0 =	simm.s32 @!p2 $0x0  }
0x16: {  	s3 =	sld [smem:$0x3FDB];
	s0 =	simm.s32 @p2 $0x1  }
0x17: {  	s4 =	simm.s32 $0x1BF5;
	[smem:$0x3FB7] =	sst s0  }
0x18: {  	s0 =	sld [smem:$0x3F9A];
	_ =	swait.ge [sflag:s4], $0x0  }
0x19: {  	s7 =	sld [smem:$0x3F9B]  }
0x1a: {  	s8 =	sadd.s32 $0xFFFFE003, lr  }
0x1b: {  	s9 =	sadd.s32 $0xFFFFFEF7, lr;
	s5 =	simm.s32 $0xFFFFFFFF;
	p2 =	slt.u32 s8, $0xFFFFF086  }
0x1c: {  	p1 =	slt.u32 s9, $0xF7A;
	s5 =	simm.s32 @!p2 $0x0  }
0x1d: {  	s5 =	simm.s32 @p1 $0x1;
	p0 =	seq.s32 s7, s2  }
0x1e: {  	s7 =	smul.u32 @!p0 $0xF7A, s2;
	p2 =	seq.s32 @!p0 s5, $0x0  }
0x1f: {  	s9 =	smul.u32 $0xF7A, s1;
	s8 =	simm.s32 @!p0 $0x1BF5;
	p2 =	por !p2, p0  }
0x20: {  	[sflag:s8] =	ssyncset.s32 @!p0 $0xFFFFF086;
	s6 =	sadd.s32 @!p0 s3, s7;
	s7 =	simm.s32 @!p0 $0x108  }
0x21: {  	s3 =	sadd.s32 s3, s9;
	s6 =	sadd.s32 @!p0 $0x88, s6;
	s7 =	simm.s32 @p2 $0x1082  }
0x22: {  	[simem:s7], [sflag:s8] =	dma.local @!p0 [hbm:s6], $0xF7A  }
0x23: {  	s9 =	sor.u32 $0xD0000000, s2;
	s6 =	simm.s32 $0x108;
	_ =	swait.ge @!p0 [sflag:s8], $0x0  }
0x24: {  	s3 =	sadd.s32 $0x88, s3;
	s6 =	simm.s32 @!p1 $0x1082;
	[sflag:s4] =	ssyncset.s32 $0xFFFFF086  }
0x25: {  	[simem:s6], [sflag:s4] =	dma.local [hbm:s3], $0xF7A  }
0x26: {  	[smem:$0x3F9B] =	sst s1;
	(tag) =	ssettag s2;
	_ =	strace s9  }
0x27: {  	s1 =	sld [smem:$0x3FAB]  }
0x28: {  	s2 =	sld [smem:$0x3FAC]  }
0x29: {  	s4 =	sld [smem:$0x3FAE]  }
0x2a: {  	p0 =	seq.s32 s5, $0x0;
	s5 =	sld [smem:$0x3FAF]  }
0x2b: {  	s6 =	sld [smem:$0x3FB0]  }
0x2c: {  	s7 =	sld [smem:$0x3FB1]  }
0x2d: {  	s3 =	simm.s32 $0x108;
	s8 =	sld [smem:$0x3FB2]  }
0x2e: {  	s3 =	simm.s32 @!p0 $0x1082;
	s9 =	sld [smem:$0x3FB3]  }
0x2f: {  	lr =	sadd.s32 s0, s3;
	s0 =	sld [smem:$0x3FAA]  }
0x30: {  	s3 =	sld [smem:$0x3FAD]  }
0x31: {  	[smem:$0x3FB6] =	sst s10  }
0x32: {  	s10 =	sld [smem:$0x3FB4];
	_ =	sdelay $0x3  }
0x33: {  	p0 =	seq.s32 s10, $0x1;
	s10 =	sld [smem:$0x3FB6];
	_ =	sdelay $0x3  }
0x34: {  	[smem:$0x3FB6] =	sst s10  }
0x35: {  	s10 =	sld [smem:$0x3FB5];
	_ =	sdelay $0x3  }
0x36: {  	p1 =	seq.s32 s10, $0x1;
	s10 =	sld [smem:$0x3FB6];
	_ =	sdelay $0x3  }
0x37: {  	[smem:$0x3FB6] =	sst s10  }
0x38: {  	s10 =	sld [smem:$0x3FB7]  }
0x39: {  	_ = 	snop;
	(pc) =	sbr.ind lr, $3  }
0x3a: {  	_ = 	snop  }
0x3b: {  	_ = 	snop  }
0x3c: {  	p2 =	seq.s32 s10, $0x1;
	s10 =	sld [smem:$0x3FB6]  }
0x3d: {  	_ =	shalt  }
0x3e: {  	_ =	shalt  }
0x3f: {  	_ =	shalt  }
0x40: {  	_ =	shalt  }
0x41: {  	_ =	shalt  }
0x42: {  	_ =	shalt  }
0x43: {  	_ =	shalt  }
0x44: {  	_ =	shalt  }
0x45: {  	_ =	shalt  }
0x46: {  	_ =	shalt  }
0x47: {  	_ =	shalt  }
0x48: {  	_ =	shalt  }
0x49: {  	_ =	shalt  }
0x4a: {  	_ =	shalt  }
0x4b: {  	_ =	shalt  }
0x4c: {  	_ =	shalt  }
0x4d: {  	_ =	shalt  }
0x4e: {  	_ =	shalt  }
0x4f: {  	_ =	shalt  }
0x50: {  	_ =	shalt  }
0x51: {  	_ =	shalt  }
0x52: {  	_ =	shalt  }
0x53: {  	_ =	shalt  }
0x54: {  	_ =	shalt  }
0x55: {  	_ =	shalt  }
0x56: {  	_ =	shalt  }
0x57: {  	_ =	shalt  }
0x58: {  	_ =	shalt  }
0x59: {  	_ =	shalt  }
0x5a: {  	_ =	shalt  }
0x5b: {  	_ =	shalt  }
0x5c: {  	_ =	shalt  }
0x5d: {  	_ =	shalt  }
0x5e: {  	_ =	shalt  }
0x5f: {  	_ =	shalt  }
0x60: {  	_ =	shalt  }
0x61: {  	_ =	shalt  }
0x62: {  	_ =	shalt  }
0x63: {  	_ =	shalt  }
0x64: {  	_ =	shalt  }
0x65: {  	_ =	shalt  }
0x66: {  	_ =	shalt  }
0x67: {  	_ =	shalt  }
0x68: {  	_ =	shalt  }
0x69: {  	_ =	shalt  }
0x6a: {  	_ =	shalt  }
0x6b: {  	_ =	shalt  }
0x6c: {  	_ =	shalt  }
0x6d: {  	_ =	shalt  }
0x6e: {  	_ =	shalt  }
0x6f: {  	_ =	shalt  }
0x70: {  	_ =	shalt  }
0x71: {  	_ =	shalt  }
0x72: {  	_ =	shalt  }
0x73: {  	_ =	shalt  }
0x74: {  	_ =	shalt  }
0x75: {  	_ =	shalt  }
0x76: {  	_ =	shalt  }
0x77: {  	_ =	shalt  }
0x78: {  	_ =	shalt  }
0x79: {  	_ =	shalt  }
0x7a: {  	_ =	shalt  }
0x7b: {  	_ =	shalt  }
0x7c: {  	_ =	shalt  }
0x7d: {  	_ =	shalt  }
0x7e: {  	_ =	shalt  }
0x7f: {  	_ =	shalt  }
0x80: {  	_ =	shalt  }
0x81: {  	_ =	shalt  }
0x82: {  	_ =	shalt  }
0x83: {  	_ =	shalt  }
0x84: {  	_ =	shalt  }
0x85: {  	_ =	shalt  }
0x86: {  	_ =	shalt  }
0x87: {  	_ =	shalt  }
.Lfunc_end0:
.L_simem_size_0:
called_computation.1_lowered:
.L_overlay_start_0:
0x88: {  	s2 =	sld [smem:$0x3FD9]  }
0x89: {  	s3 =	sld [smem:$0x3FFE];
	_ =	sdelay $0x1  }
0x8a: {  	s1 =	srdreg.scid  }
0x8b: {  	s0 =	sand.u32 $0x1, s1  }
0x8c: {  	s17 =	sshll.u32 s0, $0xA;
	s2 =	sadd.s32 s3, s2  }
0x8d: {  	s2 =	sadd.s32 s2, s17  }
0x8e: {  	[smem:$0x3FC2] =	sst s2  }
0x8f: {  	_ = 	snop  }
0x90: {  	s2 =	sld [smem:$0x3FC7];
	(tm) =	ssettm $0x1  }
0x91: {  	s18 =	sld [smem:$0x3FFB];
	_ =	sdelay $0x3  }
0x92: {  	_ =	strace s18  }
0x93: {  	s3 =	sld [smem:$0x3FFC];
	_ =	sdelay $0x3  }
0x94: {  	_ =	strace s3  }
0x95: {  	s3 =	sld [smem:$0x3FFD];
	_ =	sdelay $0x3  }
0x96: {  	_ =	strace s3  }
0x97: {  	_ =	strace $0x8FFFFFFF  }
0x98: {  	s19 =	sld [smem:$0x3FDB];
	_ =	sdelay $0x1  }
0x99: {  	s4 =	simm.s32 $_scs_section_size  }
0x9a: {  	s5 =	simm.s32 $_size__tile_overlayer_lowered;
	s6 =	simm.s32 $_tile_overlayer_lowered  }
0x9b: {  	s22 =	simm.s32 $0x1BFF;
	s21 =	sshll.u32 s6, $0x1;
	s3 =	sadd.s32 s4, s19  }
0x9c: {  	s7 =	simm.s32 $0x0;
	s20 =	sshll.u32 s5, $0x1;
	s5 =	sadd.s32 s21, s3  }
0x9d: {  	[timem:s7], [sflag:s22] =	dma.local [hbm:s5], s20  }
0x9e: {  	_ =	swait.ge [sflag:s22], s20  }
0x9f: {  	s4 =	ssub.s32 $0x0, s20;
	[sflag:s22] =	ssyncset.done $0x0  }
0xa0: {  	[sflag:s22] =	ssyncadd.s32 s4;
	_ =	sdelay $0x1  }
0xa1: {  	s23 =	simm.s32 $0x1B8B  }
0xa2: {  	_ =	swait.ge [sflag:s23], $0x1  }
0xa3: {  	[sflag:s23] =	ssyncset.done $0x0  }
0xa4: {  	s25 =	simm.s32 $0x1B8E;
	s24 =	sld [smem:$0x3FFE];
	[sflag:s23] =	ssyncadd.s32 $0xFFFFFFFF  }
0xa5: {  	s26 =	simm.s32 $execute0_lowered;
	[smem:$0x3FD2] =	sst s25  }
0xa6: {  	s5 =	sshll.u32 s26, $0x1;
	_ =	strace $0x80000049;
	[dreg:$0x1] =	wrdreg $0xFFFFFFFF  }
0xa7: {  	s28 =	simm.s32 $_size_execute0_lowered;
	s3 =	sadd.s32 s3, s5;
	[dreg:$0x0] =	wrdreg $0x0  }
0xa8: {  	s5 =	sshll.u32 s28, $0x1;
	[dreg:$0x2] =	wrdreg s3  }
0xa9: {  	[dreg:$0x3] =	wrdreg s5  }
0xaa: {  	[dreg:$0x4] =	wrdreg $0xC0  }
0xab: {  	_ =	task [dreg:s7], $0x5FFFF  }
0xac: {  	[dreg:$0x1] =	wrdreg $0xFFFFFFFF  }
0xad: {  	[dreg:$0x0] =	wrdreg $0x60  }
0xae: {  	[dreg:$0x2] =	wrdreg s24  }
0xaf: {  	[dreg:$0x3] =	wrdreg s2  }
0xb0: {  	[dreg:$0x4] =	wrdreg $0x9  }
0xb1: {  	_ =	task.clear_ibuf [dreg:s7], $0x5FFFF;
	_ =	strace $0x90000049  }
0xb2: {  	s29 =	simm.s32 $0x9;
	_ =	strace $0x8000004B  }
0xb3: {  	_ =	swait.ge [sflag:s29], $0x1  }
0xb4: {  	[sflag:s29] =	ssyncadd.s32 $0xFFFFFFFF  }
0xb5: {  	_ =	strace $0x9000004B  }
0xb6: {  	_ =	sfence  }
0xb7: {  	s30 =	sld [smem:$0x0];
	_ =	sdelay $0x2  }
0xb8: {  	s31 =	sshll.u32 s1, $0xD;
	s1 =	sshrl.u32 s1, $0x2  }
0xb9: {  	s3 =	sand.u32 $0x4000, s31;
	s1 =	sadd.s32 s1, s30  }
0xba: {  	s0 =	sor.u32 s3, s0;
	s1 =	sshll.u32 s1, $0x11  }
0xbb: {  	s0 =	sor.u32 s1, s0  }
0xbc: {  	s0 =	sadd.s32 $0x8F2B, s0  }
0xbd: {  	[sflag:s0] =	ssyncadd.remote.s32 $0x1  }
0xbe: {  	_ =	sfence.sel $0xFFFF  }
0xbf: {  	[dreg:$0x0] =	wrdreg $0xFFFFFFFF;
	(pc) =	sbr.abs _section_cstart, $3  }
0xc0: {  	[dreg:$0x1] =	wrdreg $0xFFFFFFFF  }
0xc1: {  	_ =	task.clear_ibuf [dreg:s7], $0x2FFFF;
	_ =	strace $0x9FFFFFFF  }
0xc2: {  	(tm) =	ssettm $0x7FFFFFFF  }
0xc3: {  	_ =	shalt  }
tec
execute0_lowered:
.L_overlay_start_1:
0x0: {  	(tag) =	ssettag $0x1  }
0x1: {  	s0 =	srdreg.scid  }
0x2: {  	s0 =	sand.u32 $0x1, s0  }
0x3: {  	s12 =	stileid.u32;
	s1 =	sshll.u32 s0, $0x4  }
0x4: {  	s2 =	sand.u32 $0x1, s12;
	s1 =	sor.u32 s12, s1  }
0x5: {  	p1 =	seq.s32 s2, $0x1;
	p0 =	seq.s32 s1, $0x0  }
0x6: {  	s6 =	rddreg [dreg:$0x0];
	s13 =	simm.s32 $0xC80;
	p0 =	por !p0, !p1  }
0x7: {  	s14 =	simm.s32 $0x1100;
	s2 =	simm.s32 $0x1;
	p0 =	por !p0, !p0  }
0x8: {  	s15 =	simm.s32 $0x80;
	s3 =	sshrl.u32 s1, $0x1;
	s2 =	simm.s32 @!p0 $0x0  }
0x9: {  	s16 =	simm.s32 $0x400;
	s20 =	simm.s32 $0x180;
	s2 =	ssub.s32 s3, s2  }
0xa: {  	s21 =	simm.s32 $0x580;
	s22 =	simm.s32 $0x200;
	s3 =	sshrl.u32 s2, $0xD  }
0xb: {  	s23 =	simm.s32 $0x600;
	s24 =	simm.s32 $0x280;
	s4 =	sand.u32 $0x3, s3  }
0xc: {  	s28 =	simm.s32 $0x700;
	s29 =	simm.s32 $0x380;
	s7 =	sadd.s32 s4, s2  }
0xd: {  	s30 =	simm.s32 $0x780;
	s31 =	simm.s32 $0x1180;
	s4 =	sand.u32 $0xFFFFFFFC, s7  }
0xe: {  	s26 =	sshll.u32 s12, $0xA;
	s0 =	ssub.s32 $0x2, s0;
	s8 =	ssub.s32 s2, s4  }
0xf: {  	s11 =	sshrl.u32 s0, $0x1;
	s12 =	simm.s32 $0x2;
	s9 =	sand.u32 $0xFF, s8  }
0x10: {  	s5 =	sshll.u32 s1, $0x7;
	p5 =	slt.s32 s2, $0x1;
	p6 =	sne.s32 s9, $0x0  }
0x11: {  	s1 =	sshll.u32 s1, $0x1;
	s0 =	ssub.s32 s0, s11;
	p0 =	por !p5, !p6  }
0x12: {  	s11 =	simm.s32 $0x800;
	s9 =	simm.s32 $0x1;
	p0 =	por !p0, !p0  }
0x13: {  	s10 =	sadd.s32 s5, s6;
	s7 =	sshrl.u32 s7, $0x2;
	s9 =	simm.s32 @!p0 $0x0  }
0x14: {  	s5 =	sadd.s32 $0x52400, s6;
	s3 =	simm.s32 $0x0;
	s7 =	ssub.s32 s7, s9  }
0x15: {  	v0 =	vimm.s32 $0x0;
	s1 =	sadd.s32 s1, s6;
	[smem:$0x7FF] =	sst s3;
	s17 =	sand.u32 $0x3, s7  }
0x16: {  	vm0 =	vcmask $0x300;
	v1 =	vlaneseq.u32;
	_ =	strace $0x8000004A;
	s4 =	sadd.s32 $0x22400, s6;
	s25 =	sshll.u32 s8, $0x5;
	v2 =	vmov s17  }
0x17: {  	v5 =	vsel vm0, $0x80000, v0;
	v6 =	vmul.u32 $0xFFFFFFFF, v1;
	s6 =	simm.s32 $0x1;
	s8 =	sand.u32 $0x400, s26;
	s18 =	sand.u32 $0x60, s25;
	v4 =	vshll.u32 v2, $0x7  }
0x18: {  	s26 =	simm.s32 $0x300;
	s25 =	simm.s32 $0x680;
	v3 =	vmov s18;
	s9 =	sadd.s32 $0x1000, s1;
	v2 =	vmov s2;
	v4 =	vor.u32 v5, v4  }
0x19: {  	s1 =	simm.s32 $0x0;
	s7 =	sadd.s32 $0x21200, s10;
	s10 =	smax.u32 s0, $0x1;
	v5 =	vadd.s32 $0xFFFFFFFF, v6;
	v6 =	vadd.s32 $0x1, v1;
	v4 =	vbroadcast v4, $0x0  }
.LBB2_1:
0x1a: {  	[tilespmem:s11], [sflag:$0x2] =	stream.linear.gather [hbm4b:s7+s3], $0x408, $0x38;
	[tilespmem:$0x1200] =	vst v63  }
0x1b: {  	_ =	swait.ge [sflag:s12], $0x408  }
0x1c: {  	[sflag:s12] =	ssyncset.done $0x0  }
0x1d: {  	[sflag:s12] =	ssyncadd.s32 $0xFFFFFBF8  }
0x1e: {  	[tilespmem:s13], [sflag:$0x2] =	stream.linear.gather [hbm4b:s5+s3], $0x480, $0x38;
	[tilespmem:$0x1200] =	vst v63  }
0x1f: {  	_ =	swait.ge [sflag:s12], $0x480  }
0x20: {  	[sflag:s12] =	ssyncset.done $0x0  }
0x21: {  	[sflag:s12] =	ssyncadd.s32 $0xFFFFFB80  }
0x22: {  	s2 =	rddreg [dreg:$0x1]  }
0x23: {  	[tilespmem:s14], [sflag:$0x2] =	stream.linear.gather [hbm4b:s2+s3], $0x80, $0x38;
	[tilespmem:$0x1200] =	vst v63  }
0x24: {  	s0 =	sor.u32 s8, s3;
	v8 =	vor.u32 s3, v1;
	_ =	swait.ge [sflag:s12], $0x80  }
0x25: {  	v7 =	vor.u32 s0, v1;
	[sflag:s12] =	ssyncset.done $0x0  }
0x26: {  	v9 =	vmov s0;
	v10 =	vand.u32 $0x1F, v7;
	[sflag:s12] =	ssyncadd.s32 $0xFFFFFF80  }
0x27: {  	vm1 =	veq.s32 v9, v1;
	vm0 =	vne.s32 v10, $0x0;
	v7 =	vld.idx.msk [tilespmem:v2+s14+$0x0], $0xffff  }
0x28: {  	vm0 =	vmand vm1, vm0  }
0x29: {  	v9 =	vshrl.u32 v9, $0x5;
	v12 =	vshll.u32 v10, $0xF;
	v11 =	vsel vm0, $0xFFFFFFFF, v0;
	v10 =	vld.idx.msk [tilespmem:v8+s11+$0x0], $0xffff  }
0x2a: {  	s0 =	simm.s32 $0x10;
	v11 =	vadd.s32 v11, v9  }
0x2b: {  	v12 =	vadd.s32 v4, v12;
	v9 =	vor.u32 s0, v1;
	v11 =	vshll.u32 v11, $0x9;
	s2 =	simm.s32 $0x20  }
.LBB2_2:
0x2c: {  	p0 =	sne.s32 s2, $0x3F0;
	s17 =	sor.u32 s8, s0;
	v11 =	vadd.s32 v12, v11;
	s0 =	smov.u32 s2  }
0x2d: {  	v12 =	vor.u32 s17, v1;
	v11 =	vor.u32 v3, v11  }
0x2e: {  	v13 =	vmov s17;
	v12 =	vand.u32 $0x1F, v12;
	v10 =	vadd.s32 v10, v11  }
.Ltmp0:
0x2f: {  	vm1 =	veq.s32 v13, v1;
	vm0 =	vne.s32 v12, $0x0;
	[tilespmem:v8+s3+$0x0] =	vst.idx.msk $0xffff, v10;
	v8 =	vmov v9;
	(pc) =	sbr.rel @p0 .LBB2_2-.Ltmp0, $4  }
0x30: {  	v10 =	vld.idx.msk [tilespmem:v9+s11+$0x0], $0xffff;
	vm0 =	vmand vm1, vm0  }
0x31: {  	v9 =	vshrl.u32 v13, $0x5;
	v11 =	vsel vm0, $0xFFFFFFFF, v0  }
0x32: {  	v12 =	vshll.u32 v12, $0xF;
	v11 =	vadd.s32 v11, v9  }
0x33: {  	s2 =	sadd.s32 $0x10, s2;
	v12 =	vadd.s32 v4, v12;
	v9 =	vor.u32 s0, v1;
	v11 =	vshll.u32 v11, $0x9  }
0x34: {  	s0 =	sor.u32 s8, s0  }
0x35: {  	v11 =	vadd.s32 v12, v11;
	v12 =	vor.u32 s0, v1  }
0x36: {  	v11 =	vor.u32 v3, v11;
	v13 =	vmov s0;
	v12 =	vand.u32 $0x1F, v12  }
0x37: {  	v10 =	vadd.s32 v10, v11;
	vm1 =	veq.s32 v13, v1;
	vm0 =	vne.s32 v12, $0x0  }
0x38: {  	[tilespmem:v8+s3+$0x0] =	vst.idx.msk $0xffff, v10;
	vm0 =	vmand vm1, vm0  }
0x39: {  	v10 =	vshrl.u32 v13, $0x5;
	v8 =	vld.idx.msk [tilespmem:v9+s11+$0x0], $0xffff;
	v11 =	vsel vm0, $0xFFFFFFFF, v0  }
0x3a: {  	v10 =	vadd.s32 v11, v10;
	v11 =	vshll.u32 v12, $0xF  }
0x3b: {  	v10 =	vshll.u32 v10, $0x9;
	v11 =	vadd.s32 v4, v11  }
0x3c: {  	v10 =	vadd.s32 v11, v10  }
0x3d: {  	v10 =	vor.u32 v3, v10  }
0x3e: {  	v8 =	vadd.s32 v8, v10  }
0x3f: {  	s2 =	simm.s32 $0x0;
	[tilespmem:v9+s3+$0x0] =	vst.idx.msk $0xffff, v8  }
0x40: {  	[tilespmem:s16], [sflag:$0x1] =	stream.indirect.gather [hbm4b:s4+s15], $0x1, s2, s15, $0xb8;
	[tilespmem:$0x1200] =	vst v63  }
0x41: {  	s18 =	simm.s32 $0x480  }
0x42: {  	[tilespmem:s18], [sflag:$0x1] =	stream.indirect.gather [hbm4b:s4+s15], $0x1, s15, s15, $0xb8;
	[tilespmem:$0x1200] =	vst v63  }
0x43: {  	s19 =	simm.s32 $0x100;
	s17 =	simm.s32 $0x500  }
0x44: {  	[tilespmem:s17], [sflag:$0x1] =	stream.indirect.gather [hbm4b:s4+s15], $0x1, s19, s15, $0xb8;
	[tilespmem:$0x1200] =	vst v63  }
0x45: {  	_ = 	snop  }
0x46: {  	[tilespmem:s21], [sflag:$0x1] =	stream.indirect.gather [hbm4b:s4+s15], $0x1, s20, s15, $0xb8;
	[tilespmem:$0x1200] =	vst v63  }
0x47: {  	_ = 	snop  }
0x48: {  	[tilespmem:s23], [sflag:$0x1] =	stream.indirect.gather [hbm4b:s4+s15], $0x1, s22, s15, $0xb8;
	[tilespmem:$0x1200] =	vst v63  }
0x49: {  	_ = 	snop  }
0x4a: {  	[tilespmem:s25], [sflag:$0x1] =	stream.indirect.gather [hbm4b:s4+s15], $0x1, s24, s15, $0xb8;
	[tilespmem:$0x1200] =	vst v63  }
0x4b: {  	_ = 	snop  }
0x4c: {  	[tilespmem:s28], [sflag:$0x1] =	stream.indirect.gather [hbm4b:s4+s15], $0x1, s26, s15, $0xb8;
	[tilespmem:$0x1200] =	vst v63  }
0x4d: {  	_ = 	snop  }
0x4e: {  	[tilespmem:s30], [sflag:$0x1] =	stream.indirect.gather [hbm4b:s4+s15], $0x1, s29, s15, $0xb8;
	[tilespmem:$0x1200] =	vst v63  }
0x4f: {  	_ =	swait.ge [sflag:s6], $0x80  }
0x50: {  	[sflag:s6] =	ssyncset.done $0x0  }
0x51: {  	[sflag:s6] =	ssyncadd.s32 $0xFFFFFF80  }
0x52: {  	_ =	swait.ge [sflag:s6], $0x80  }
0x53: {  	[sflag:s6] =	ssyncset.done $0x0  }
0x54: {  	[sflag:s6] =	ssyncadd.s32 $0xFFFFFF80  }
0x55: {  	_ =	swait.ge [sflag:s6], $0x80  }
0x56: {  	[sflag:s6] =	ssyncset.done $0x0  }
0x57: {  	[sflag:s6] =	ssyncadd.s32 $0xFFFFFF80  }
0x58: {  	_ =	swait.ge [sflag:s6], $0x80  }
0x59: {  	[sflag:s6] =	ssyncset.done $0x0  }
0x5a: {  	[sflag:s6] =	ssyncadd.s32 $0xFFFFFF80  }
0x5b: {  	_ =	swait.ge [sflag:s6], $0x80  }
0x5c: {  	[sflag:s6] =	ssyncset.done $0x0  }
0x5d: {  	[sflag:s6] =	ssyncadd.s32 $0xFFFFFF80  }
0x5e: {  	_ =	swait.ge [sflag:s6], $0x80  }
0x5f: {  	[sflag:s6] =	ssyncset.done $0x0  }
0x60: {  	[sflag:s6] =	ssyncadd.s32 $0xFFFFFF80  }
0x61: {  	_ =	swait.ge [sflag:s6], $0x80  }
0x62: {  	v8 =	vor.u32 s2, v1;
	[sflag:s6] =	ssyncset.done $0x0  }
0x63: {  	v9 =	vadd.s32 s2, v6;
	[sflag:s6] =	ssyncadd.s32 $0xFFFFFF80  }
0x64: {  	_ =	swait.ge [sflag:s6], $0x80  }
0x65: {  	[sflag:s6] =	ssyncset.done $0x0  }
0x66: {  	[sflag:s6] =	ssyncadd.s32 $0xFFFFFF80  }
0x67: {  	s18 =	simm.s32 $0x10;
	v10 =	vld.idx.msk [tilespmem:v8+s11+$0x0], $0xffff  }
0x68: {  	v13 =	vor.u32 s18, v1;
	v9 =	vld.idx.msk [tilespmem:v9+s11+$0x0], $0xffff  }
0x69: {  	v11 =	vadd.s32 s18, v6;
	_ =	sdelay $0x2  }
0x6a: {  	v12 =	vshll.u32 v10, $0x5  }
0x6b: {  	v15 =	vld.idx.msk [tilespmem:v13+s11+$0x0], $0xffff;
	v9 =	vadd.s32 v9, v12  }
0x6c: {  	s17 =	simm.s32 $0x20;
	v11 =	vld.idx.msk [tilespmem:v11+s11+$0x0], $0xffff;
	v16 =	vadd.s32 $0x420, v10  }
0x6d: {  	v12 =	vor.u32 s17, v1  }
0x6e: {  	v17 =	vadd.s32 s17, v6  }
0x6f: {  	v18 =	vld.idx.msk [tilespmem:v8+s16+$0x0], $0xffff;
	v10 =	vadd.s32 $0x400, v10  }
0x70: {  	s0 =	simm.s32 $0x30;
	v19 =	vld.idx.msk [tilespmem:v9+s13+$0x0], $0xffff;
	v9 =	vshll.u32 v15, $0x5  }
0x71: {  	v22 =	vadd.s32 s0, v6;
	s2 =	sor.u32 s8, s2;
	v21 =	vld.idx.msk [tilespmem:v16+s13+$0x0], $0xffff;
	v20 =	vadd.s32 v11, v9  }
0x72: {  	v23 =	vadd.s32 s2, v6;
	v26 =	vmov s2;
	v14 =	vld.idx.msk [tilespmem:v12+s11+$0x0], $0xffff;
	v9 =	vor.u32 s0, v1  }
0x73: {  	vm1 =	vlt.s32 v23, v7;
	v17 =	vld.idx.msk [tilespmem:v17+s11+$0x0], $0xffff;
	v24 =	vadd.s32 $0x420, v15;
	v16 =	vor.u32 s2, v1  }
0x74: {  	v8 =	vadd.s32 v5, v7;
	v27 =	vadd.s32 $0x400, v15;
	v25 =	vld.idx.msk [tilespmem:v10+s13+$0x0], $0xffff;
	s2 =	simm.s32 $0x40;
	vm0 =	vlt.s32 v16, v7  }
0x75: {  	v16 =	vld.idx.msk [tilespmem:v13+s16+$0x0], $0xffff;
	v15 =	vadd.s32 s2, v6;
	v10 =	vnsel vm0, $0x0, v18;
	v13 =	vnsel vm1, $0x0, v19  }
0x76: {  	v11 =	vimm.f32 $0.0e+00;
	vm0 =	veq.s32 v26, v8;
	v18 =	vld.idx.msk [tilespmem:v20+s13+$0x0], $0xffff;
	v19 =	vadd.f32 v13, v10  }
0x77: {  	s19 =	sor.u32 s8, s18;
	v23 =	vnsel vm0, $0x0, v21;
	vm0 =	veq.s32 v26, v1;
	v13 =	vld.idx.msk [tilespmem:v9+s11+$0x0], $0xffff;
	v20 =	vshll.u32 v14, $0x5  }
0x78: {  	v26 =	vor.u32 s19, v1;
	v21 =	vadd.s32 v17, v20;
	v17 =	vld.idx.msk [tilespmem:v24+s13+$0x0], $0xffff;
	v24 =	vadd.f32 v23, v19  }
0x79: {  	v25 =	vnsel vm0, $0x0, v25;
	vm0 =	vlt.s32 v26, v7;
	v10 =	vor.u32 s2, v1;
	v20 =	vld.idx.msk [tilespmem:v22+s11+$0x0], $0xffff  }
0x7a: {  	s18 =	simm.s32 $0x50;
	v22 =	vadd.s32 $0x420, v14;
	v23 =	vadd.s32 s19, v6;
	v19 =	vld.idx.msk [tilespmem:v27+s13+$0x0], $0xffff;
	v24 =	vadd.f32 v24, v25  }
.LBB2_4:
0x7b: {  	p0 =	sne.s32 s18, $0x3F0;
	v25 =	vmov s19;
	v26 =	vnsel vm0, $0x0, v16;
	vm0 =	vlt.s32 v23, v7  }
0x7c: {  	v27 =	vadd.s32 $0x400, v14;
	v16 =	vld.idx.msk [tilespmem:v12+s16+$0x0], $0xffff;
	v28 =	vnsel vm0, $0x0, v18;
	v11 =	vadd.f32 v24, v11;
	v12 =	vmovc v9;
	v9 =	vmovc v10  }
.Ltmp1:
0x7d: {  	v24 =	vadd.s32 s18, v6;
	vm0 =	veq.s32 v25, v8;
	v14 =	vmovc v13;
	v18 =	vld.idx.msk [tilespmem:v21+s13+$0x0], $0xffff;
	v23 =	vadd.f32 v28, v26;
	(pc) =	sbr.rel @p0 .LBB2_4-.Ltmp1, $4  }
0x7e: {  	v21 =	vshll.u32 v14, $0x5;
	v26 =	vnsel vm0, $0x0, v17;
	v13 =	vld.idx.msk [tilespmem:v10+s11+$0x0], $0xffff;
	v10 =	vor.u32 s18, v1  }
0x7f: {  	s19 =	sor.u32 s8, s17;
	s17 =	smov.u32 s0;
	s0 =	smov.u32 s2;
	vm0 =	veq.s32 v25, v1;
	v21 =	vadd.s32 v20, v21;
	v17 =	vld.idx.msk [tilespmem:v22+s13+$0x0], $0xffff;
	v26 =	vadd.f32 v26, v23  }
0x80: {  	s2 =	smov.u32 s18;
	v25 =	vor.u32 s19, v1;
	v23 =	vadd.s32 s19, v6;
	v28 =	vnsel vm0, $0x0, v19;
	v20 =	vld.idx.msk [tilespmem:v15+s11+$0x0], $0xffff;
	v15 =	vmovc v24  }
0x81: {  	s18 =	sadd.s32 $0x10, s18;
	v22 =	vadd.s32 $0x420, v14;
	vm0 =	vlt.s32 v25, v7;
	v19 =	vld.idx.msk [tilespmem:v27+s13+$0x0], $0xffff;
	v24 =	vadd.f32 v26, v28  }
0x82: {  	_ =	sdelay $0x2  }
0x83: {  	vm1 =	vlt.s32 v23, v7;
	v42 =	vmov s19;
	v16 =	vnsel vm0, $0x0, v16  }
0x84: {  	v14 =	vadd.s32 $0x400, v14;
	v43 =	vld.idx.msk [tilespmem:v10+s11+$0x0], $0xffff;
	v18 =	vnsel vm1, $0x0, v18;
	vm14 =	veq.s32 v42, v8  }
0x85: {  	v15 =	vld.idx.msk [tilespmem:v15+s11+$0x0], $0xffff;
	s17 =	sor.u32 s8, s17;
	v11 =	vadd.f32 v24, v11;
	v44 =	vshll.u32 v13, $0x5;
	vm15 =	veq.s32 v42, v1  }
0x86: {  	s0 =	sor.u32 s8, s0;
	v46 =	vor.u32 s17, v1;
	v47 =	vadd.s32 s17, v6;
	v48 =	vadd.s32 $0x420, v13  }
0x87: {  	v12 =	vld.idx.msk [tilespmem:v12+s16+$0x0], $0xffff;
	v49 =	vmov s17;
	v51 =	vadd.s32 $0x400, v13;
	v54 =	vor.u32 s0, v1  }
0x88: {  	v21 =	vld.idx.msk [tilespmem:v21+s13+$0x0], $0xffff;
	s19 =	sor.u32 s8, s2;
	v55 =	vadd.s32 s0, v6;
	v57 =	vmov s0;
	v20 =	vadd.s32 v20, v44  }
0x89: {  	v45 =	vld.idx.msk [tilespmem:v22+s13+$0x0], $0xffff;
	v59 =	vor.u32 s19, v1;
	v60 =	vadd.s32 s19, v6;
	v50 =	vshll.u32 v43, $0x5  }
0x8a: {  	v9 =	vld.idx.msk [tilespmem:v9+s16+$0x0], $0xffff;
	v16 =	vadd.f32 v18, v16;
	v17 =	vnsel vm14, $0x0, v17;
	v15 =	vadd.s32 v15, v50  }
0x8b: {  	v56 =	vld.idx.msk [tilespmem:v10+s16+$0x0], $0xffff;
	vm4 =	vlt.s32 v46, v7;
	vm5 =	vlt.s32 v47, v7;
	vm6 =	veq.s32 v49, v8  }
0x8c: {  	vm7 =	veq.s32 v49, v1;
	vm8 =	vlt.s32 v54, v7;
	v14 =	vld.idx.msk [tilespmem:v14+s13+$0x0], $0xffff;
	v52 =	vadd.s32 $0x420, v43  }
0x8d: {  	vm9 =	vlt.s32 v55, v7;
	vm10 =	veq.s32 v57, v8;
	vm11 =	vlt.s32 v59, v7;
	v20 =	vld.idx.msk [tilespmem:v20+s13+$0x0], $0xffff  }
0x8e: {  	vm12 =	vlt.s32 v60, v7;
	v7 =	vmov s19;
	v18 =	vadd.s32 $0x400, v43;
	v53 =	vld.idx.msk [tilespmem:v48+s13+$0x0], $0xffff  }
0x8f: {  	v16 =	vadd.f32 v17, v16;
	v12 =	vnsel vm4, $0x0, v12;
	v21 =	vnsel vm5, $0x0, v21;
	v15 =	vld.idx.msk [tilespmem:v15+s13+$0x0], $0xffff  }
0x90: {  	vm13 =	veq.s32 v57, v1;
	v19 =	vnsel vm15, $0x0, v19;
	v12 =	vadd.f32 v21, v12;
	v13 =	vld.idx.msk [tilespmem:v51+s13+$0x0], $0xffff  }
0x91: {  	v17 =	vnsel vm6, $0x0, v45;
	v9 =	vnsel vm8, $0x0, v9;
	v16 =	vadd.f32 v16, v19;
	v58 =	vld.idx.msk [tilespmem:v52+s13+$0x0], $0xffff  }
0x92: {  	v10 =	vnsel vm11, $0x0, v56;
	v12 =	vadd.f32 v17, v12;
	v19 =	vnsel vm9, $0x0, v20  }
0x93: {  	v11 =	vadd.f32 v16, v11;
	v14 =	vnsel vm7, $0x0, v14;
	v61 =	vld.idx.msk [tilespmem:v18+s13+$0x0], $0xffff;
	v9 =	vadd.f32 v19, v9  }
0x94: {  	v12 =	vadd.f32 v12, v14;
	v16 =	vnsel vm10, $0x0, v53;
	v15 =	vnsel vm12, $0x0, v15  }
0x95: {  	vm14 =	veq.s32 v7, v8;
	v9 =	vadd.f32 v16, v9;
	v10 =	vadd.f32 v15, v10  }
0x96: {  	v8 =	vnsel vm13, $0x0, v13;
	v11 =	vadd.f32 v12, v11;
	v62 =	vnsel vm14, $0x0, v58  }
0x97: {  	vm15 =	veq.s32 v7, v1;
	v8 =	vadd.f32 v9, v8;
	v63 =	vadd.f32 v62, v10  }
0x98: {  	v7 =	vnsel vm15, $0x0, v61  }
0x99: {  	v8 =	vadd.f32 v8, v11;
	v7 =	vadd.f32 v63, v7;
	_ =	sdelay $0x1  }
0x9a: {  	s1 =	sadd.s32 $0x1, s1;
	v7 =	vadd.f32 v7, v8  }
0x9b: {  	p0 =	sne.s32 s1, s10  }
.Ltmp2:
0x9c: {  	[tilespmem:$0x1180] =	vst v7;
	(pc) =	sbr.rel @p0 .LBB2_1-.Ltmp2, $4  }
0x9d: {  	[hbm4b:s9+s3] =	stream.linear.scatter [tilespmem:s31], [sflag:$0x2], $0x10, $0x38;
	[tilespmem:$0x1200] =	vst v63  }
0x9e: {  	_ =	swait.ge [sflag:s12], $0x10  }
0x9f: {  	[sflag:s12] =	ssyncset.done $0x0  }
0xa0: {  	[sflag:s12] =	ssyncadd.s32 $0xFFFFFFF0  }
0xa1: {  	_ =	sfence.sel $0x180000  }
0xa2: {  	[bflag:$0x0] =	sbarrier.arrive $0xFFFF  }
0xa3: {  	_ =	strace $0x9000004A  }
0xa4: {  	s0 =	stileid.u32;
	[bflag:$0x2] =	sbarrier.arrive $0xFFFF  }
0xa5: {  	p0 =	sne.s32 s0, $0x0;
	s0 =	rddreg [dreg:$0x2]  }
0xa6: {  	s0 =	sadd.s32 @!p0 $0x100000, s0  }
0xa7: {  	[sflag:s0] =	ssyncadd.tile.s32 @!p0 $0x1;
	_ =	shalt  }
.Lfunc_end2:
_tile_overlayer_lowered:
.L_overlay_start_2:
0xa8: {  	(tag) =	ssettag $0x2  }
0xa9: {  	s0 =	rddreg [dreg:$0x0];
	s2 =	stileid.u32  }
0xaa: {  	s1 =	rddreg [dreg:$0x1];
	p0 =	sne.s32 s2, $0x0  }
0xab: {  	s3 =	rddreg [dreg:$0x2];
	[bflag:$0x3] =	sbarrier.arrive $0xFFFF;
	s2 =	simm.s32 @!p0 $0x1C02  }
0xac: {  	[timem:s3], [sflag:s2] =	dma.local @!p0 [hbm:s0], s1  }
0xad: {  	s0 =	simm.s32 @!p0 $0x2  }
0xae: {  	_ =	swait.ge @!p0 [sflag:s0], s1  }
0xaf: {  	s1 =	ssub.s32 @!p0 $0x0, s1;
	[sflag:s0] =	ssyncset.done @!p0 $0x0  }
0xb0: {  	[sflag:s0] =	ssyncadd.s32 @!p0 s1  }
0xb1: {  	[bflag:$0x3] =	sbarrier.arrive $0xFFFF  }
0xb2: {  	_ =	shalt  }

</sc_bundles>
